<compile_context>
chip_gen: v7x
topology: tpu7x:2x2x1
jax: 0.10.2.dev20260603
libtpu: 0.0.44.dev20260713+nightly
codegen_flags: <defaults>
</compile_context>

<pallas_src>
import functools

import jax
import jax.numpy as jnp
from jax import lax
from jax.experimental import pallas as pl
from jax.experimental.pallas import tpu as pltpu
from jax.experimental.pallas import tpu_sc as plsc

_NBUF = 5


def _transpose_in_kernel(v, dim, blk):
    n_blocks = (v + blk - 1) // blk
    rows = blk * dim // 128
    half = blk // 2

    def body(i_ref, o_ref):
        xt = i_ref[...].T
        o_ref[:, 0:dim] = xt[0:half]
        o_ref[:, dim : 2 * dim] = xt[half : 2 * half]

    return pl.pallas_call(
        body,
        grid=(n_blocks,),
        in_specs=[pl.BlockSpec((dim, blk), lambda c: (0, c))],
        out_specs=pl.BlockSpec((rows, 128), lambda c: (c, 0)),
        out_shape=jax.ShapeDtypeStruct((n_blocks * rows, 128), jnp.float32),
        compiler_params=pltpu.CompilerParams(vmem_limit_bytes=100 * 1024 * 1024),
    )


def _transpose_out_kernel(b, s, dim, sb, s_half, s_off, alias):
    rows = b * dim // 128
    off_blocks = s_off // sb

    def body(i_ref, *o_refs):
        o_ref = o_refs[-1]
        for j in range(sb):
            xt = i_ref[pl.ds(j * rows, rows), :].T
            o_ref[j] = jnp.concatenate([xt[0:dim], xt[dim : 2 * dim]], axis=1)

    in_specs = [pl.BlockSpec((sb * rows, 128), lambda si: (si, 0))]
    if alias:
        in_specs.append(pl.BlockSpec(memory_space=pl.MemorySpace.ANY))

    return pl.pallas_call(
        body,
        grid=(s_half // sb,),
        in_specs=in_specs,
        out_specs=pl.BlockSpec(
            (sb, dim, b), lambda si: (si + off_blocks, 0, 0)
        ),
        out_shape=jax.ShapeDtypeStruct((s, dim, b), jnp.float32),
        input_output_aliases={1: 0} if alias else {},
        compiler_params=pltpu.CompilerParams(vmem_limit_bytes=100 * 1024 * 1024),
    )


def _gather_kernel(n_half, dim, n_per_w, chunk, n_chunks, nc, n_off):
    mesh = plsc.VectorSubcoreMesh(core_axis_name="c", subcore_axis_name="s")
    n_iters = n_chunks // _NBUF

    @functools.partial(
        pl.kernel,
        mesh=mesh,
        out_type=jax.ShapeDtypeStruct((n_half // 2, 2 * dim), jnp.float32),
        scratch_types=[
            pltpu.VMEM((n_per_w,), jnp.int32),
            pltpu.VMEM((_NBUF, chunk, dim), jnp.float32),
            pltpu.SemaphoreType.DMA,
            pltpu.SemaphoreType.DMA,
        ],
        compiler_params=pltpu.CompilerParams(use_tc_tiling_on_sc=False),
    )
    def k(idx_hbm, table_hbm, out_hbm, idx_v, rows_v, gsem, osem):
        wid = lax.axis_index("s") * nc + lax.axis_index("c")
        base = wid * n_per_w
        pltpu.sync_copy(idx_hbm.at[pl.ds(n_off + base, n_per_w)], idx_v)

        def out_slice(g):
            n0 = base + g * chunk
            h = (n0 >> 11) & 1
            row0 = ((n0 >> 12) << 11) + (n0 & 2047)
            return out_hbm.at[pl.ds(row0, chunk), pl.ds(h * dim, dim)]

        def fire_gather(g, b):
            pltpu.async_copy(
                table_hbm.at[idx_v.at[pl.ds(g * chunk, chunk)]],
                rows_v.at[b],
                gsem,
            )

        def fire_out(g, b):
            pltpu.async_copy(rows_v.at[b], out_slice(g), osem)

        def wait_gather(b):
            pltpu.make_async_copy(
                table_hbm.at[idx_v.at[pl.ds(0, chunk)]], rows_v.at[b], gsem
            ).wait()

        def wait_out(b):
            pltpu.make_async_copy(
                rows_v.at[b], out_hbm.at[pl.ds(0, chunk), pl.ds(0, dim)], osem
            ).wait()

        for b in range(_NBUF - 1):
            fire_gather(b, b)

        def body(i, _):
            for b in range(_NBUF):
                g = i * _NBUF + b
                wait_gather(b)
                if b == 0:
                    @pl.when(i > 0)
                    def _():
                        wait_out(_NBUF - 1)
                    fire_gather(g + _NBUF - 1, _NBUF - 1)
                else:
                    wait_out(b - 1)

                    @pl.when(i < n_iters - 1)
                    def _():
                        fire_gather(g + _NBUF - 1, b - 1)
                fire_out(g, b)
            return 0

        lax.fori_loop(0, n_iters, body, 0)
        wait_out(_NBUF - 1)

    return k


def kernel(input_ids, table):
    b, s = input_ids.shape
    v, dim = table.shape
    n_total = b * s
    nw = 32
    nc = 2
    n_half = n_total // 2
    n_per_w = n_half // nw
    chunk = 256
    n_chunks = n_per_w // chunk
    assert n_per_w * nw == n_half
    assert chunk * n_chunks == n_per_w and n_chunks % _NBUF == 0

    blk = 32768
    t128 = _transpose_in_kernel(v, dim, blk)(table.T)
    v_slots = t128.shape[0] * 128 // dim
    table_rm = t128.reshape(v_slots, dim)

    ids_flat = input_ids.T.reshape(n_total).astype(jnp.int32)
    half_bits = (blk // 2).bit_length() - 1
    t = ids_flat & (blk - 1)
    slot = (
        (ids_flat & ~(blk - 1)) + ((t & (blk // 2 - 1)) << 1) + (t >> half_bits)
    )

    g1 = _gather_kernel(n_half, dim, n_per_w, chunk, n_chunks, nc, 0)(
        slot, table_rm
    )
    out1 = _transpose_out_kernel(b, s, dim, 4, s // 2, 0, False)(
        g1.reshape(n_half * dim // 128, 128)
    )
    g2 = _gather_kernel(n_half, dim, n_per_w, chunk, n_chunks, nc, n_half)(
        slot, table_rm
    )
    out_t = _transpose_out_kernel(b, s, dim, 4, s // 2, s // 2, True)(
        g2.reshape(n_half * dim // 128, 128), out1
    )
    return out_t.transpose(2, 0, 1)

# --- scband reference (transcript-rebuilt; emitter-appended) ---
"""Pipeline reference for scband-token-base-embedding-13451837571322 (READ-ONLY COPY).

The authoritative reference and input builder live on the scoring server;
editing this copy changes nothing except your own understanding.
"""

import jax, jax.numpy as jnp
import numpy as np

VOCAB = 1000000
DIM = 64
BATCH = 4096
SEQ = 200

def setup_inputs(seed: int = 0) -> dict:
    key = jax.random.key(seed)
    k1, k2 = jax.random.split(key)
    input_ids = jax.random.randint(k1, (BATCH, SEQ), 0, VOCAB, dtype=jnp.int64 if jax.config.jax_enable_x64 else jnp.int32)
    table = jax.random.normal(k2, (VOCAB, DIM), dtype=jnp.float32) * 0.02
    return {"input_ids": input_ids, "table": table}

def reference(input_ids, table):
    # TokenBaseEmbedding with all optional sub-modules None:
    # embeddings = self.embeddings(input_ids)
    embeddings = jnp.take(table, input_ids, axis=0)
    return embeddings

if __name__ == "__main__":
    import jax
    _d = setup_inputs()
    print(jax.jit(kernel)(*tuple(_d.values())))

</pallas_src>

<mosaic_0001>
#map = affine_map<(d0, d1) -> (0)>
#map1 = affine_map<(d0, d1) -> (0, 0)>
module attributes {stable_mosaic.version = 14 : i64} {
  func.func @k(%arg0: i32, %arg1: i32, %arg2: memref<819200xi32, #tpu.memory_space<hbm>>, %arg3: memref<1015808x64xf32, #tpu.memory_space<hbm>>, %arg4: memref<204800x128xf32, #tpu.memory_space<hbm>>, %arg5: memref<12800xi32, #tpu.memory_space<vmem>>, %arg6: memref<5x256x64xf32, #tpu.memory_space<vmem>>, %arg7: memref<!tpu.dma_semaphore, #tpu.memory_space<semaphore_mem>>, %arg8: memref<!tpu.dma_semaphore, #tpu.memory_space<semaphore_mem>>) attributes {dimension_semantics = [#tpu.dimension_semantics<core_parallel>, #tpu.dimension_semantics<subcore_parallel>], iteration_bounds = array<i64: 2, 16>, scalar_prefetch = 0 : i64, scratch_operands = 4 : i64, tpu.core_type = #tpu.core_type<sc_vector_subcore>, window_params = [{transform_indices = #map}, {transform_indices = #map1}, {transform_indices = #map1}]} {
    %mul3A = arith.constant 2 : i32
    %mul3A_0 = arith.muli %arg1, %mul3A : i32
    %add3A = arith.addi %mul3A_0, %arg0 : i32
    %mul3A_1 = arith.constant 12800 : i32
    %mul3A_2 = arith.muli %add3A, %mul3A_1 : i32
    %add3A_3 = arith.constant 409600 : i32
    %add3A_4 = arith.addi %add3A_3, %mul3A_2 : i32
    "tpu.region"() ({
      %run_scoped3A = tpu.sem_alloc : memref<!tpu.dma_semaphore, #tpu.memory_space<semaphore_mem>>
      %dma_start3A_64 = tpu.memref_slice %arg2[%add3A_4] : memref<819200xi32, #tpu.memory_space<hbm>> -> memref<12800xi32, #tpu.memory_space<hbm>>
      %dma_start3A_65 = tpu.memref_slice %arg2[%add3A_4] : memref<819200xi32, #tpu.memory_space<hbm>> -> memref<12800xi32, #tpu.memory_space<hbm>>
      tpu.enqueue_dma source(%dma_start3A_65 : memref<12800xi32, #tpu.memory_space<hbm>>) target(%arg5 : memref<12800xi32, #tpu.memory_space<vmem>>) target_semaphore(%run_scoped3A : memref<!tpu.dma_semaphore, #tpu.memory_space<semaphore_mem>>)
      %dma_wait3A_66 = tpu.memref_slice %arg2[%add3A_4] : memref<819200xi32, #tpu.memory_space<hbm>> -> memref<12800xi32, #tpu.memory_space<hbm>>
      %dma_wait3A_67 = tpu.memref_slice %arg2[%add3A_4] : memref<819200xi32, #tpu.memory_space<hbm>> -> memref<12800xi32, #tpu.memory_space<hbm>>
      tpu.wait_dma2 semaphore(%run_scoped3A : memref<!tpu.dma_semaphore, #tpu.memory_space<semaphore_mem>>) src(%dma_wait3A_67 : memref<12800xi32, #tpu.memory_space<hbm>>) dst(%arg5 : memref<12800xi32, #tpu.memory_space<vmem>>)
      tpu.yield
    }) : () -> ()
    %dma_start3A = arith.constant 0 : i32
    %dma_start3A_5 = arith.constant 0 : i32
    %dma_start3A_6 = arith.constant 0 : i32
    %dma_start3A_7 = tpu.memref_slice %arg6[%dma_start3A, %dma_start3A_5, %dma_start3A_6] : memref<5x256x64xf32, #tpu.memory_space<vmem>> -> memref<1x256x64xf32, #tpu.memory_space<vmem>>
    %dma_start3A_8 = tpu.memref_squeeze %dma_start3A_7 : memref<1x256x64xf32, #tpu.memory_space<vmem>> -> memref<256x64xf32, #tpu.memory_space<vmem>>
    %dma_start3A_9 = arith.constant 0 : i32
    %dma_start3A_10 = tpu.memref_slice %arg5[%dma_start3A_9] : memref<12800xi32, #tpu.memory_space<vmem>> -> memref<256xi32, #tpu.memory_space<vmem>>
    %dma_start3A_11 = arith.constant 0 : i32
    %dma_start3A_12 = arith.constant 0 : i32
    %dma_start3A_13 = tpu.memref_slice %arg3[%dma_start3A_11, %dma_start3A_12] : memref<1015808x64xf32, #tpu.memory_space<hbm>> -> memref<1015808x64xf32, #tpu.memory_space<hbm>>
    tpu.enqueue_indirect_dma source(%dma_start3A_13 : memref<1015808x64xf32, #tpu.memory_space<hbm>>) target(%dma_start3A_8 : memref<256x64xf32, #tpu.memory_space<vmem>>) offsets(%dma_start3A_10 : memref<256xi32, #tpu.memory_space<vmem>>) semaphore(%arg7 : memref<!tpu.dma_semaphore, #tpu.memory_space<semaphore_mem>>)
    %dma_start3A_14 = arith.constant 1 : i32
    %dma_start3A_15 = arith.constant 0 : i32
    %dma_start3A_16 = arith.constant 0 : i32
    %dma_start3A_17 = tpu.memref_slice %arg6[%dma_start3A_14, %dma_start3A_15, %dma_start3A_16] : memref<5x256x64xf32, #tpu.memory_space<vmem>> -> memref<1x256x64xf32, #tpu.memory_space<vmem>>
    %dma_start3A_18 = tpu.memref_squeeze %dma_start3A_17 : memref<1x256x64xf32, #tpu.memory_space<vmem>> -> memref<256x64xf32, #tpu.memory_space<vmem>>
    %dma_start3A_19 = arith.constant 256 : i32
    %dma_start3A_20 = tpu.memref_slice %arg5[%dma_start3A_19] : memref<12800xi32, #tpu.memory_space<vmem>> -> memref<256xi32, #tpu.memory_space<vmem>>
    %dma_start3A_21 = arith.constant 0 : i32
    %dma_start3A_22 = arith.constant 0 : i32
    %dma_start3A_23 = tpu.memref_slice %arg3[%dma_start3A_21, %dma_start3A_22] : memref<1015808x64xf32, #tpu.memory_space<hbm>> -> memref<1015808x64xf32, #tpu.memory_space<hbm>>
    tpu.enqueue_indirect_dma source(%dma_start3A_23 : memref<1015808x64xf32, #tpu.memory_space<hbm>>) target(%dma_start3A_18 : memref<256x64xf32, #tpu.memory_space<vmem>>) offsets(%dma_start3A_20 : memref<256xi32, #tpu.memory_space<vmem>>) semaphore(%arg7 : memref<!tpu.dma_semaphore, #tpu.memory_space<semaphore_mem>>)
    %dma_start3A_24 = arith.constant 2 : i32
    %dma_start3A_25 = arith.constant 0 : i32
    %dma_start3A_26 = arith.constant 0 : i32
    %dma_start3A_27 = tpu.memref_slice %arg6[%dma_start3A_24, %dma_start3A_25, %dma_start3A_26] : memref<5x256x64xf32, #tpu.memory_space<vmem>> -> memref<1x256x64xf32, #tpu.memory_space<vmem>>
    %dma_start3A_28 = tpu.memref_squeeze %dma_start3A_27 : memref<1x256x64xf32, #tpu.memory_space<vmem>> -> memref<256x64xf32, #tpu.memory_space<vmem>>
    %dma_start3A_29 = arith.constant 512 : i32
    %dma_start3A_30 = tpu.memref_slice %arg5[%dma_start3A_29] : memref<12800xi32, #tpu.memory_space<vmem>> -> memref<256xi32, #tpu.memory_space<vmem>>
    %dma_start3A_31 = arith.constant 0 : i32
    %dma_start3A_32 = arith.constant 0 : i32
    %dma_start3A_33 = tpu.memref_slice %arg3[%dma_start3A_31, %dma_start3A_32] : memref<1015808x64xf32, #tpu.memory_space<hbm>> -> memref<1015808x64xf32, #tpu.memory_space<hbm>>
    tpu.enqueue_indirect_dma source(%dma_start3A_33 : memref<1015808x64xf32, #tpu.memory_space<hbm>>) target(%dma_start3A_28 : memref<256x64xf32, #tpu.memory_space<vmem>>) offsets(%dma_start3A_30 : memref<256xi32, #tpu.memory_space<vmem>>) semaphore(%arg7 : memref<!tpu.dma_semaphore, #tpu.memory_space<semaphore_mem>>)
    %dma_start3A_34 = arith.constant 3 : i32
    %dma_start3A_35 = arith.constant 0 : i32
    %dma_start3A_36 = arith.constant 0 : i32
    %dma_start3A_37 = tpu.memref_slice %arg6[%dma_start3A_34, %dma_start3A_35, %dma_start3A_36] : memref<5x256x64xf32, #tpu.memory_space<vmem>> -> memref<1x256x64xf32, #tpu.memory_space<vmem>>
    %dma_start3A_38 = tpu.memref_squeeze %dma_start3A_37 : memref<1x256x64xf32, #tpu.memory_space<vmem>> -> memref<256x64xf32, #tpu.memory_space<vmem>>
    %dma_start3A_39 = arith.constant 768 : i32
    %dma_start3A_40 = tpu.memref_slice %arg5[%dma_start3A_39] : memref<12800xi32, #tpu.memory_space<vmem>> -> memref<256xi32, #tpu.memory_space<vmem>>
    %dma_start3A_41 = arith.constant 0 : i32
    %dma_start3A_42 = arith.constant 0 : i32
    %dma_start3A_43 = tpu.memref_slice %arg3[%dma_start3A_41, %dma_start3A_42] : memref<1015808x64xf32, #tpu.memory_space<hbm>> -> memref<1015808x64xf32, #tpu.memory_space<hbm>>
    tpu.enqueue_indirect_dma source(%dma_start3A_43 : memref<1015808x64xf32, #tpu.memory_space<hbm>>) target(%dma_start3A_38 : memref<256x64xf32, #tpu.memory_space<vmem>>) offsets(%dma_start3A_40 : memref<256xi32, #tpu.memory_space<vmem>>) semaphore(%arg7 : memref<!tpu.dma_semaphore, #tpu.memory_space<semaphore_mem>>)
    %scan3A = arith.constant 0 : i32
    %scan3A_44 = arith.constant 0 : i32
    %scan3A_45 = arith.constant 10 : i32
    %scan3A_46 = arith.addi %scan3A_44, %scan3A_45 : i32
    %scan3A_47 = arith.constant 1 : i32
    %scan3A_48 = scf.for %scan3A_64 = %scan3A_44 to %scan3A_46 step %scan3A_47 iter_args(%scan3A_65 = %scan3A) -> (i32)  : i32 {
      %mul3A_66 = arith.constant 5 : i32
      %mul3A_67 = arith.muli %scan3A_64, %mul3A_66 : i32
      %add3A_68 = arith.constant 0 : i32
      %add3A_69 = arith.addi %mul3A_67, %add3A_68 : i32
      %dma_wait3A_70 = arith.constant 0 : i32
      %dma_wait3A_71 = arith.constant 0 : i32
      %dma_wait3A_72 = arith.constant 0 : i32
      %dma_wait3A_73 = tpu.memref_slice %arg6[%dma_wait3A_70, %dma_wait3A_71, %dma_wait3A_72] : memref<5x256x64xf32, #tpu.memory_space<vmem>> -> memref<1x256x64xf32, #tpu.memory_space<vmem>>
      %dma_wait3A_74 = tpu.memref_squeeze %dma_wait3A_73 : memref<1x256x64xf32, #tpu.memory_space<vmem>> -> memref<256x64xf32, #tpu.memory_space<vmem>>
      %dma_wait3A_75 = arith.constant 0 : i32
      %dma_wait3A_76 = tpu.memref_slice %arg5[%dma_wait3A_75] : memref<12800xi32, #tpu.memory_space<vmem>> -> memref<256xi32, #tpu.memory_space<vmem>>
      %dma_wait3A_77 = arith.constant 0 : i32
      %dma_wait3A_78 = arith.constant 0 : i32
      %dma_wait3A_79 = tpu.memref_slice %arg3[%dma_wait3A_77, %dma_wait3A_78] : memref<1015808x64xf32, #tpu.memory_space<hbm>> -> memref<1015808x64xf32, #tpu.memory_space<hbm>>
      tpu.wait_indirect_dma semaphore(%arg7 : memref<!tpu.dma_semaphore, #tpu.memory_space<semaphore_mem>>) src(%dma_wait3A_79 : memref<1015808x64xf32, #tpu.memory_space<hbm>>) dst(%dma_wait3A_74 : memref<256x64xf32, #tpu.memory_space<vmem>>)
      %gt3A = arith.constant 0 : i32
      %gt3A_80 = arith.cmpi sgt, %scan3A_64, %gt3A : i32
      %convert_element_type3A = arith.extui %gt3A_80 : i1 to i32
      %cond3A = arith.constant 0 : i32
      %cond3A_81 = arith.cmpi ne, %convert_element_type3A, %cond3A : i32
      scf.if %cond3A_81 {
        %dma_wait3A_364 = arith.constant 4 : i32
        %dma_wait3A_365 = arith.constant 0 : i32
        %dma_wait3A_366 = arith.constant 0 : i32
        %dma_wait3A_367 = tpu.memref_slice %arg6[%dma_wait3A_364, %dma_wait3A_365, %dma_wait3A_366] : memref<5x256x64xf32, #tpu.memory_space<vmem>> -> memref<1x256x64xf32, #tpu.memory_space<vmem>>
        %dma_wait3A_368 = tpu.memref_squeeze %dma_wait3A_367 : memref<1x256x64xf32, #tpu.memory_space<vmem>> -> memref<256x64xf32, #tpu.memory_space<vmem>>
        %dma_wait3A_369 = arith.constant 0 : i32
        %dma_wait3A_370 = arith.constant 0 : i32
        %dma_wait3A_371 = tpu.memref_slice %arg4[%dma_wait3A_369, %dma_wait3A_370] : memref<204800x128xf32, #tpu.memory_space<hbm>> -> memref<256x64xf32, #tpu.memory_space<hbm>>
        %dma_wait3A_372 = arith.constant 0 : i32
        %dma_wait3A_373 = arith.constant 0 : i32
        %dma_wait3A_374 = tpu.memref_slice %arg4[%dma_wait3A_372, %dma_wait3A_373] : memref<204800x128xf32, #tpu.memory_space<hbm>> -> memref<256x64xf32, #tpu.memory_space<hbm>>
        %dma_wait3A_375 = arith.constant 0 : i32
        %dma_wait3A_376 = arith.constant 0 : i32
        %dma_wait3A_377 = tpu.memref_slice %arg6[%dma_wait3A_364, %dma_wait3A_375, %dma_wait3A_376] : memref<5x256x64xf32, #tpu.memory_space<vmem>> -> memref<1x256x64xf32, #tpu.memory_space<vmem>>
        %dma_wait3A_378 = tpu.memref_squeeze %dma_wait3A_377 : memref<1x256x64xf32, #tpu.memory_space<vmem>> -> memref<256x64xf32, #tpu.memory_space<vmem>>
        tpu.wait_dma2 semaphore(%arg8 : memref<!tpu.dma_semaphore, #tpu.memory_space<semaphore_mem>>) src(%dma_wait3A_378 : memref<256x64xf32, #tpu.memory_space<vmem>>) dst(%dma_wait3A_374 : memref<256x64xf32, #tpu.memory_space<hbm>>)
      } else {
      }
      %add3A_82 = arith.constant 5 : i32
      %add3A_83 = arith.addi %add3A_69, %add3A_82 : i32
      %sub3A = arith.constant 1 : i32
      %sub3A_84 = arith.subi %add3A_83, %sub3A : i32
      %mul3A_85 = arith.constant 256 : i32
      %mul3A_86 = arith.muli %sub3A_84, %mul3A_85 : i32
      %dma_start3A_87 = arith.constant 4 : i32
      %dma_start3A_88 = arith.constant 0 : i32
      %dma_start3A_89 = arith.constant 0 : i32
      %dma_start3A_90 = tpu.memref_slice %arg6[%dma_start3A_87, %dma_start3A_88, %dma_start3A_89] : memref<5x256x64xf32, #tpu.memory_space<vmem>> -> memref<1x256x64xf32, #tpu.memory_space<vmem>>
      %dma_start3A_91 = tpu.memref_squeeze %dma_start3A_90 : memref<1x256x64xf32, #tpu.memory_space<vmem>> -> memref<256x64xf32, #tpu.memory_space<vmem>>
      %dma_start3A_92 = tpu.memref_slice %arg5[%mul3A_86] : memref<12800xi32, #tpu.memory_space<vmem>> -> memref<256xi32, #tpu.memory_space<vmem>>
      %dma_start3A_93 = arith.constant 0 : i32
      %dma_start3A_94 = arith.constant 0 : i32
      %dma_start3A_95 = tpu.memref_slice %arg3[%dma_start3A_93, %dma_start3A_94] : memref<1015808x64xf32, #tpu.memory_space<hbm>> -> memref<1015808x64xf32, #tpu.memory_space<hbm>>
      tpu.enqueue_indirect_dma source(%dma_start3A_95 : memref<1015808x64xf32, #tpu.memory_space<hbm>>) target(%dma_start3A_91 : memref<256x64xf32, #tpu.memory_space<vmem>>) offsets(%dma_start3A_92 : memref<256xi32, #tpu.memory_space<vmem>>) semaphore(%arg7 : memref<!tpu.dma_semaphore, #tpu.memory_space<semaphore_mem>>)
      %mul3A_96 = arith.constant 256 : i32
      %mul3A_97 = arith.muli %add3A_69, %mul3A_96 : i32
      %add3A_98 = arith.addi %mul3A_2, %mul3A_97 : i32
      %shift_right_arithmetic3A = arith.constant 11 : i32
      %shift_right_arithmetic3A_99 = arith.shrsi %add3A_98, %shift_right_arithmetic3A : i32
      %and3A = arith.constant 1 : i32
      %and3A_100 = arith.andi %shift_right_arithmetic3A_99, %and3A : i32
      %shift_right_arithmetic3A_101 = arith.constant 12 : i32
      %shift_right_arithmetic3A_102 = arith.shrsi %add3A_98, %shift_right_arithmetic3A_101 : i32
      %shift_left3A = arith.constant 11 : i32
      %shift_left3A_103 = arith.shli %shift_right_arithmetic3A_102, %shift_left3A : i32
      %and3A_104 = arith.constant 2047 : i32
      %and3A_105 = arith.andi %add3A_98, %and3A_104 : i32
      %add3A_106 = arith.addi %shift_left3A_103, %and3A_105 : i32
      %mul3A_107 = arith.constant 64 : i32
      %mul3A_108 = arith.muli %and3A_100, %mul3A_107 : i32
      %dma_start3A_109 = arith.constant 0 : i32
      %dma_start3A_110 = arith.constant 0 : i32
      %dma_start3A_111 = arith.constant 0 : i32
      %dma_start3A_112 = tpu.memref_slice %arg6[%dma_start3A_109, %dma_start3A_110, %dma_start3A_111] : memref<5x256x64xf32, #tpu.memory_space<vmem>> -> memref<1x256x64xf32, #tpu.memory_space<vmem>>
      %dma_start3A_113 = tpu.memref_squeeze %dma_start3A_112 : memref<1x256x64xf32, #tpu.memory_space<vmem>> -> memref<256x64xf32, #tpu.memory_space<vmem>>
      %dma_start3A_114 = tpu.memref_slice %arg4[%add3A_106, %mul3A_108] : memref<204800x128xf32, #tpu.memory_space<hbm>> -> memref<256x64xf32, #tpu.memory_space<hbm>>
      %dma_start3A_115 = tpu.memref_slice %arg4[%add3A_106, %mul3A_108] : memref<204800x128xf32, #tpu.memory_space<hbm>> -> memref<256x64xf32, #tpu.memory_space<hbm>>
      %dma_start3A_116 = arith.constant 0 : i32
      %dma_start3A_117 = arith.constant 0 : i32
      %dma_start3A_118 = tpu.memref_slice %arg6[%dma_start3A_109, %dma_start3A_116, %dma_start3A_117] : memref<5x256x64xf32, #tpu.memory_space<vmem>> -> memref<1x256x64xf32, #tpu.memory_space<vmem>>
      %dma_start3A_119 = tpu.memref_squeeze %dma_start3A_118 : memref<1x256x64xf32, #tpu.memory_space<vmem>> -> memref<256x64xf32, #tpu.memory_space<vmem>>
      tpu.enqueue_dma source(%dma_start3A_119 : memref<256x64xf32, #tpu.memory_space<vmem>>) target(%dma_start3A_115 : memref<256x64xf32, #tpu.memory_space<hbm>>) target_semaphore(%arg8 : memref<!tpu.dma_semaphore, #tpu.memory_space<semaphore_mem>>)
      %mul3A_120 = arith.constant 5 : i32
      %mul3A_121 = arith.muli %scan3A_64, %mul3A_120 : i32
      %add3A_122 = arith.constant 1 : i32
      %add3A_123 = arith.addi %mul3A_121, %add3A_122 : i32
      %dma_wait3A_124 = arith.constant 1 : i32
      %dma_wait3A_125 = arith.constant 0 : i32
      %dma_wait3A_126 = arith.constant 0 : i32
      %dma_wait3A_127 = tpu.memref_slice %arg6[%dma_wait3A_124, %dma_wait3A_125, %dma_wait3A_126] : memref<5x256x64xf32, #tpu.memory_space<vmem>> -> memref<1x256x64xf32, #tpu.memory_space<vmem>>
      %dma_wait3A_128 = tpu.memref_squeeze %dma_wait3A_127 : memref<1x256x64xf32, #tpu.memory_space<vmem>> -> memref<256x64xf32, #tpu.memory_space<vmem>>
      %dma_wait3A_129 = arith.constant 0 : i32
      %dma_wait3A_130 = tpu.memref_slice %arg5[%dma_wait3A_129] : memref<12800xi32, #tpu.memory_space<vmem>> -> memref<256xi32, #tpu.memory_space<vmem>>
      %dma_wait3A_131 = arith.constant 0 : i32
      %dma_wait3A_132 = arith.constant 0 : i32
      %dma_wait3A_133 = tpu.memref_slice %arg3[%dma_wait3A_131, %dma_wait3A_132] : memref<1015808x64xf32, #tpu.memory_space<hbm>> -> memref<1015808x64xf32, #tpu.memory_space<hbm>>
      tpu.wait_indirect_dma semaphore(%arg7 : memref<!tpu.dma_semaphore, #tpu.memory_space<semaphore_mem>>) src(%dma_wait3A_133 : memref<1015808x64xf32, #tpu.memory_space<hbm>>) dst(%dma_wait3A_128 : memref<256x64xf32, #tpu.memory_space<vmem>>)
      %dma_wait3A_134 = arith.constant 0 : i32
      %dma_wait3A_135 = arith.constant 0 : i32
      %dma_wait3A_136 = arith.constant 0 : i32
      %dma_wait3A_137 = tpu.memref_slice %arg6[%dma_wait3A_134, %dma_wait3A_135, %dma_wait3A_136] : memref<5x256x64xf32, #tpu.memory_space<vmem>> -> memref<1x256x64xf32, #tpu.memory_space<vmem>>
      %dma_wait3A_138 = tpu.memref_squeeze %dma_wait3A_137 : memref<1x256x64xf32, #tpu.memory_space<vmem>> -> memref<256x64xf32, #tpu.memory_space<vmem>>
      %dma_wait3A_139 = arith.constant 0 : i32
      %dma_wait3A_140 = arith.constant 0 : i32
      %dma_wait3A_141 = tpu.memref_slice %arg4[%dma_wait3A_139, %dma_wait3A_140] : memref<204800x128xf32, #tpu.memory_space<hbm>> -> memref<256x64xf32, #tpu.memory_space<hbm>>
      %dma_wait3A_142 = arith.constant 0 : i32
      %dma_wait3A_143 = arith.constant 0 : i32
      %dma_wait3A_144 = tpu.memref_slice %arg4[%dma_wait3A_142, %dma_wait3A_143] : memref<204800x128xf32, #tpu.memory_space<hbm>> -> memref<256x64xf32, #tpu.memory_space<hbm>>
      %dma_wait3A_145 = arith.constant 0 : i32
      %dma_wait3A_146 = arith.constant 0 : i32
      %dma_wait3A_147 = tpu.memref_slice %arg6[%dma_wait3A_134, %dma_wait3A_145, %dma_wait3A_146] : memref<5x256x64xf32, #tpu.memory_space<vmem>> -> memref<1x256x64xf32, #tpu.memory_space<vmem>>
      %dma_wait3A_148 = tpu.memref_squeeze %dma_wait3A_147 : memref<1x256x64xf32, #tpu.memory_space<vmem>> -> memref<256x64xf32, #tpu.memory_space<vmem>>
      tpu.wait_dma2 semaphore(%arg8 : memref<!tpu.dma_semaphore, #tpu.memory_space<semaphore_mem>>) src(%dma_wait3A_148 : memref<256x64xf32, #tpu.memory_space<vmem>>) dst(%dma_wait3A_144 : memref<256x64xf32, #tpu.memory_space<hbm>>)
      %lt3A = arith.constant 9 : i32
      %lt3A_149 = arith.cmpi slt, %scan3A_64, %lt3A : i32
      %convert_element_type3A_150 = arith.extui %lt3A_149 : i1 to i32
      %cond3A_151 = arith.constant 0 : i32
      %cond3A_152 = arith.cmpi ne, %convert_element_type3A_150, %cond3A_151 : i32
      scf.if %cond3A_152 {
        %add3A_364 = arith.constant 5 : i32
        %add3A_365 = arith.addi %add3A_123, %add3A_364 : i32
        %sub3A_366 = arith.constant 1 : i32
        %sub3A_367 = arith.subi %add3A_365, %sub3A_366 : i32
        %mul3A_368 = arith.constant 256 : i32
        %mul3A_369 = arith.muli %sub3A_367, %mul3A_368 : i32
        %dma_start3A_370 = arith.constant 0 : i32
        %dma_start3A_371 = arith.constant 0 : i32
        %dma_start3A_372 = arith.constant 0 : i32
        %dma_start3A_373 = tpu.memref_slice %arg6[%dma_start3A_370, %dma_start3A_371, %dma_start3A_372] : memref<5x256x64xf32, #tpu.memory_space<vmem>> -> memref<1x256x64xf32, #tpu.memory_space<vmem>>
        %dma_start3A_374 = tpu.memref_squeeze %dma_start3A_373 : memref<1x256x64xf32, #tpu.memory_space<vmem>> -> memref<256x64xf32, #tpu.memory_space<vmem>>
        %dma_start3A_375 = tpu.memref_slice %arg5[%mul3A_369] : memref<12800xi32, #tpu.memory_space<vmem>> -> memref<256xi32, #tpu.memory_space<vmem>>
        %dma_start3A_376 = arith.constant 0 : i32
        %dma_start3A_377 = arith.constant 0 : i32
        %dma_start3A_378 = tpu.memref_slice %arg3[%dma_start3A_376, %dma_start3A_377] : memref<1015808x64xf32, #tpu.memory_space<hbm>> -> memref<1015808x64xf32, #tpu.memory_space<hbm>>
        tpu.enqueue_indirect_dma source(%dma_start3A_378 : memref<1015808x64xf32, #tpu.memory_space<hbm>>) target(%dma_start3A_374 : memref<256x64xf32, #tpu.memory_space<vmem>>) offsets(%dma_start3A_375 : memref<256xi32, #tpu.memory_space<vmem>>) semaphore(%arg7 : memref<!tpu.dma_semaphore, #tpu.memory_space<semaphore_mem>>)
      } else {
      }
      %mul3A_153 = arith.constant 256 : i32
      %mul3A_154 = arith.muli %add3A_123, %mul3A_153 : i32
      %add3A_155 = arith.addi %mul3A_2, %mul3A_154 : i32
      %shift_right_arithmetic3A_156 = arith.constant 11 : i32
      %shift_right_arithmetic3A_157 = arith.shrsi %add3A_155, %shift_right_arithmetic3A_156 : i32
      %and3A_158 = arith.constant 1 : i32
      %and3A_159 = arith.andi %shift_right_arithmetic3A_157, %and3A_158 : i32
      %shift_right_arithmetic3A_160 = arith.constant 12 : i32
      %shift_right_arithmetic3A_161 = arith.shrsi %add3A_155, %shift_right_arithmetic3A_160 : i32
      %shift_left3A_162 = arith.constant 11 : i32
      %shift_left3A_163 = arith.shli %shift_right_arithmetic3A_161, %shift_left3A_162 : i32
      %and3A_164 = arith.constant 2047 : i32
      %and3A_165 = arith.andi %add3A_155, %and3A_164 : i32
      %add3A_166 = arith.addi %shift_left3A_163, %and3A_165 : i32
      %mul3A_167 = arith.constant 64 : i32
      %mul3A_168 = arith.muli %and3A_159, %mul3A_167 : i32
      %dma_start3A_169 = arith.constant 1 : i32
      %dma_start3A_170 = arith.constant 0 : i32
      %dma_start3A_171 = arith.constant 0 : i32
      %dma_start3A_172 = tpu.memref_slice %arg6[%dma_start3A_169, %dma_start3A_170, %dma_start3A_171] : memref<5x256x64xf32, #tpu.memory_space<vmem>> -> memref<1x256x64xf32, #tpu.memory_space<vmem>>
      %dma_start3A_173 = tpu.memref_squeeze %dma_start3A_172 : memref<1x256x64xf32, #tpu.memory_space<vmem>> -> memref<256x64xf32, #tpu.memory_space<vmem>>
      %dma_start3A_174 = tpu.memref_slice %arg4[%add3A_166, %mul3A_168] : memref<204800x128xf32, #tpu.memory_space<hbm>> -> memref<256x64xf32, #tpu.memory_space<hbm>>
      %dma_start3A_175 = tpu.memref_slice %arg4[%add3A_166, %mul3A_168] : memref<204800x128xf32, #tpu.memory_space<hbm>> -> memref<256x64xf32, #tpu.memory_space<hbm>>
      %dma_start3A_176 = arith.constant 0 : i32
      %dma_start3A_177 = arith.constant 0 : i32
      %dma_start3A_178 = tpu.memref_slice %arg6[%dma_start3A_169, %dma_start3A_176, %dma_start3A_177] : memref<5x256x64xf32, #tpu.memory_space<vmem>> -> memref<1x256x64xf32, #tpu.memory_space<vmem>>
      %dma_start3A_179 = tpu.memref_squeeze %dma_start3A_178 : memref<1x256x64xf32, #tpu.memory_space<vmem>> -> memref<256x64xf32, #tpu.memory_space<vmem>>
      tpu.enqueue_dma source(%dma_start3A_179 : memref<256x64xf32, #tpu.memory_space<vmem>>) target(%dma_start3A_175 : memref<256x64xf32, #tpu.memory_space<hbm>>) target_semaphore(%arg8 : memref<!tpu.dma_semaphore, #tpu.memory_space<semaphore_mem>>)
      %mul3A_180 = arith.constant 5 : i32
      %mul3A_181 = arith.muli %scan3A_64, %mul3A_180 : i32
      %add3A_182 = arith.constant 2 : i32
      %add3A_183 = arith.addi %mul3A_181, %add3A_182 : i32
      %dma_wait3A_184 = arith.constant 2 : i32
      %dma_wait3A_185 = arith.constant 0 : i32
      %dma_wait3A_186 = arith.constant 0 : i32
      %dma_wait3A_187 = tpu.memref_slice %arg6[%dma_wait3A_184, %dma_wait3A_185, %dma_wait3A_186] : memref<5x256x64xf32, #tpu.memory_space<vmem>> -> memref<1x256x64xf32, #tpu.memory_space<vmem>>
      %dma_wait3A_188 = tpu.memref_squeeze %dma_wait3A_187 : memref<1x256x64xf32, #tpu.memory_space<vmem>> -> memref<256x64xf32, #tpu.memory_space<vmem>>
      %dma_wait3A_189 = arith.constant 0 : i32
      %dma_wait3A_190 = tpu.memref_slice %arg5[%dma_wait3A_189] : memref<12800xi32, #tpu.memory_space<vmem>> -> memref<256xi32, #tpu.memory_space<vmem>>
      %dma_wait3A_191 = arith.constant 0 : i32
      %dma_wait3A_192 = arith.constant 0 : i32
      %dma_wait3A_193 = tpu.memref_slice %arg3[%dma_wait3A_191, %dma_wait3A_192] : memref<1015808x64xf32, #tpu.memory_space<hbm>> -> memref<1015808x64xf32, #tpu.memory_space<hbm>>
      tpu.wait_indirect_dma semaphore(%arg7 : memref<!tpu.dma_semaphore, #tpu.memory_space<semaphore_mem>>) src(%dma_wait3A_193 : memref<1015808x64xf32, #tpu.memory_space<hbm>>) dst(%dma_wait3A_188 : memref<256x64xf32, #tpu.memory_space<vmem>>)
      %dma_wait3A_194 = arith.constant 1 : i32
      %dma_wait3A_195 = arith.constant 0 : i32
      %dma_wait3A_196 = arith.constant 0 : i32
      %dma_wait3A_197 = tpu.memref_slice %arg6[%dma_wait3A_194, %dma_wait3A_195, %dma_wait3A_196] : memref<5x256x64xf32, #tpu.memory_space<vmem>> -> memref<1x256x64xf32, #tpu.memory_space<vmem>>
      %dma_wait3A_198 = tpu.memref_squeeze %dma_wait3A_197 : memref<1x256x64xf32, #tpu.memory_space<vmem>> -> memref<256x64xf32, #tpu.memory_space<vmem>>
      %dma_wait3A_199 = arith.constant 0 : i32
      %dma_wait3A_200 = arith.constant 0 : i32
      %dma_wait3A_201 = tpu.memref_slice %arg4[%dma_wait3A_199, %dma_wait3A_200] : memref<204800x128xf32, #tpu.memory_space<hbm>> -> memref<256x64xf32, #tpu.memory_space<hbm>>
      %dma_wait3A_202 = arith.constant 0 : i32
      %dma_wait3A_203 = arith.constant 0 : i32
      %dma_wait3A_204 = tpu.memref_slice %arg4[%dma_wait3A_202, %dma_wait3A_203] : memref<204800x128xf32, #tpu.memory_space<hbm>> -> memref<256x64xf32, #tpu.memory_space<hbm>>
      %dma_wait3A_205 = arith.constant 0 : i32
      %dma_wait3A_206 = arith.constant 0 : i32
      %dma_wait3A_207 = tpu.memref_slice %arg6[%dma_wait3A_194, %dma_wait3A_205, %dma_wait3A_206] : memref<5x256x64xf32, #tpu.memory_space<vmem>> -> memref<1x256x64xf32, #tpu.memory_space<vmem>>
      %dma_wait3A_208 = tpu.memref_squeeze %dma_wait3A_207 : memref<1x256x64xf32, #tpu.memory_space<vmem>> -> memref<256x64xf32, #tpu.memory_space<vmem>>
      tpu.wait_dma2 semaphore(%arg8 : memref<!tpu.dma_semaphore, #tpu.memory_space<semaphore_mem>>) src(%dma_wait3A_208 : memref<256x64xf32, #tpu.memory_space<vmem>>) dst(%dma_wait3A_204 : memref<256x64xf32, #tpu.memory_space<hbm>>)
      %lt3A_209 = arith.constant 9 : i32
      %lt3A_210 = arith.cmpi slt, %scan3A_64, %lt3A_209 : i32
      %convert_element_type3A_211 = arith.extui %lt3A_210 : i1 to i32
      %cond3A_212 = arith.constant 0 : i32
      %cond3A_213 = arith.cmpi ne, %convert_element_type3A_211, %cond3A_212 : i32
      scf.if %cond3A_213 {
        %add3A_364 = arith.constant 5 : i32
        %add3A_365 = arith.addi %add3A_183, %add3A_364 : i32
        %sub3A_366 = arith.constant 1 : i32
        %sub3A_367 = arith.subi %add3A_365, %sub3A_366 : i32
        %mul3A_368 = arith.constant 256 : i32
        %mul3A_369 = arith.muli %sub3A_367, %mul3A_368 : i32
        %dma_start3A_370 = arith.constant 1 : i32
        %dma_start3A_371 = arith.constant 0 : i32
        %dma_start3A_372 = arith.constant 0 : i32
        %dma_start3A_373 = tpu.memref_slice %arg6[%dma_start3A_370, %dma_start3A_371, %dma_start3A_372] : memref<5x256x64xf32, #tpu.memory_space<vmem>> -> memref<1x256x64xf32, #tpu.memory_space<vmem>>
        %dma_start3A_374 = tpu.memref_squeeze %dma_start3A_373 : memref<1x256x64xf32, #tpu.memory_space<vmem>> -> memref<256x64xf32, #tpu.memory_space<vmem>>
        %dma_start3A_375 = tpu.memref_slice %arg5[%mul3A_369] : memref<12800xi32, #tpu.memory_space<vmem>> -> memref<256xi32, #tpu.memory_space<vmem>>
        %dma_start3A_376 = arith.constant 0 : i32
        %dma_start3A_377 = arith.constant 0 : i32
        %dma_start3A_378 = tpu.memref_slice %arg3[%dma_start3A_376, %dma_start3A_377] : memref<1015808x64xf32, #tpu.memory_space<hbm>> -> memref<1015808x64xf32, #tpu.memory_space<hbm>>
        tpu.enqueue_indirect_dma source(%dma_start3A_378 : memref<1015808x64xf32, #tpu.memory_space<hbm>>) target(%dma_start3A_374 : memref<256x64xf32, #tpu.memory_space<vmem>>) offsets(%dma_start3A_375 : memref<256xi32, #tpu.memory_space<vmem>>) semaphore(%arg7 : memref<!tpu.dma_semaphore, #tpu.memory_space<semaphore_mem>>)
      } else {
      }
      %mul3A_214 = arith.constant 256 : i32
      %mul3A_215 = arith.muli %add3A_183, %mul3A_214 : i32
      %add3A_216 = arith.addi %mul3A_2, %mul3A_215 : i32
      %shift_right_arithmetic3A_217 = arith.constant 11 : i32
      %shift_right_arithmetic3A_218 = arith.shrsi %add3A_216, %shift_right_arithmetic3A_217 : i32
      %and3A_219 = arith.constant 1 : i32
      %and3A_220 = arith.andi %shift_right_arithmetic3A_218, %and3A_219 : i32
      %shift_right_arithmetic3A_221 = arith.constant 12 : i32
      %shift_right_arithmetic3A_222 = arith.shrsi %add3A_216, %shift_right_arithmetic3A_221 : i32
      %shift_left3A_223 = arith.constant 11 : i32
      %shift_left3A_224 = arith.shli %shift_right_arithmetic3A_222, %shift_left3A_223 : i32
      %and3A_225 = arith.constant 2047 : i32
      %and3A_226 = arith.andi %add3A_216, %and3A_225 : i32
      %add3A_227 = arith.addi %shift_left3A_224, %and3A_226 : i32
      %mul3A_228 = arith.constant 64 : i32
      %mul3A_229 = arith.muli %and3A_220, %mul3A_228 : i32
      %dma_start3A_230 = arith.constant 2 : i32
      %dma_start3A_231 = arith.constant 0 : i32
      %dma_start3A_232 = arith.constant 0 : i32
      %dma_start3A_233 = tpu.memref_slice %arg6[%dma_start3A_230, %dma_start3A_231, %dma_start3A_232] : memref<5x256x64xf32, #tpu.memory_space<vmem>> -> memref<1x256x64xf32, #tpu.memory_space<vmem>>
      %dma_start3A_234 = tpu.memref_squeeze %dma_start3A_233 : memref<1x256x64xf32, #tpu.memory_space<vmem>> -> memref<256x64xf32, #tpu.memory_space<vmem>>
      %dma_start3A_235 = tpu.memref_slice %arg4[%add3A_227, %mul3A_229] : memref<204800x128xf32, #tpu.memory_space<hbm>> -> memref<256x64xf32, #tpu.memory_space<hbm>>
      %dma_start3A_236 = tpu.memref_slice %arg4[%add3A_227, %mul3A_229] : memref<204800x128xf32, #tpu.memory_space<hbm>> -> memref<256x64xf32, #tpu.memory_space<hbm>>
      %dma_start3A_237 = arith.constant 0 : i32
      %dma_start3A_238 = arith.constant 0 : i32
      %dma_start3A_239 = tpu.memref_slice %arg6[%dma_start3A_230, %dma_start3A_237, %dma_start3A_238] : memref<5x256x64xf32, #tpu.memory_space<vmem>> -> memref<1x256x64xf32, #tpu.memory_space<vmem>>
      %dma_start3A_240 = tpu.memref_squeeze %dma_start3A_239 : memref<1x256x64xf32, #tpu.memory_space<vmem>> -> memref<256x64xf32, #tpu.memory_space<vmem>>
      tpu.enqueue_dma source(%dma_start3A_240 : memref<256x64xf32, #tpu.memory_space<vmem>>) target(%dma_start3A_236 : memref<256x64xf32, #tpu.memory_space<hbm>>) target_semaphore(%arg8 : memref<!tpu.dma_semaphore, #tpu.memory_space<semaphore_mem>>)
      %mul3A_241 = arith.constant 5 : i32
      %mul3A_242 = arith.muli %scan3A_64, %mul3A_241 : i32
      %add3A_243 = arith.constant 3 : i32
      %add3A_244 = arith.addi %mul3A_242, %add3A_243 : i32
      %dma_wait3A_245 = arith.constant 3 : i32
      %dma_wait3A_246 = arith.constant 0 : i32
      %dma_wait3A_247 = arith.constant 0 : i32
      %dma_wait3A_248 = tpu.memref_slice %arg6[%dma_wait3A_245, %dma_wait3A_246, %dma_wait3A_247] : memref<5x256x64xf32, #tpu.memory_space<vmem>> -> memref<1x256x64xf32, #tpu.memory_space<vmem>>
      %dma_wait3A_249 = tpu.memref_squeeze %dma_wait3A_248 : memref<1x256x64xf32, #tpu.memory_space<vmem>> -> memref<256x64xf32, #tpu.memory_space<vmem>>
      %dma_wait3A_250 = arith.constant 0 : i32
      %dma_wait3A_251 = tpu.memref_slice %arg5[%dma_wait3A_250] : memref<12800xi32, #tpu.memory_space<vmem>> -> memref<256xi32, #tpu.memory_space<vmem>>
      %dma_wait3A_252 = arith.constant 0 : i32
      %dma_wait3A_253 = arith.constant 0 : i32
      %dma_wait3A_254 = tpu.memref_slice %arg3[%dma_wait3A_252, %dma_wait3A_253] : memref<1015808x64xf32, #tpu.memory_space<hbm>> -> memref<1015808x64xf32, #tpu.memory_space<hbm>>
      tpu.wait_indirect_dma semaphore(%arg7 : memref<!tpu.dma_semaphore, #tpu.memory_space<semaphore_mem>>) src(%dma_wait3A_254 : memref<1015808x64xf32, #tpu.memory_space<hbm>>) dst(%dma_wait3A_249 : memref<256x64xf32, #tpu.memory_space<vmem>>)
      %dma_wait3A_255 = arith.constant 2 : i32
      %dma_wait3A_256 = arith.constant 0 : i32
      %dma_wait3A_257 = arith.constant 0 : i32
      %dma_wait3A_258 = tpu.memref_slice %arg6[%dma_wait3A_255, %dma_wait3A_256, %dma_wait3A_257] : memref<5x256x64xf32, #tpu.memory_space<vmem>> -> memref<1x256x64xf32, #tpu.memory_space<vmem>>
      %dma_wait3A_259 = tpu.memref_squeeze %dma_wait3A_258 : memref<1x256x64xf32, #tpu.memory_space<vmem>> -> memref<256x64xf32, #tpu.memory_space<vmem>>
      %dma_wait3A_260 = arith.constant 0 : i32
      %dma_wait3A_261 = arith.constant 0 : i32
      %dma_wait3A_262 = tpu.memref_slice %arg4[%dma_wait3A_260, %dma_wait3A_261] : memref<204800x128xf32, #tpu.memory_space<hbm>> -> memref<256x64xf32, #tpu.memory_space<hbm>>
      %dma_wait3A_263 = arith.constant 0 : i32
      %dma_wait3A_264 = arith.constant 0 : i32
      %dma_wait3A_265 = tpu.memref_slice %arg4[%dma_wait3A_263, %dma_wait3A_264] : memref<204800x128xf32, #tpu.memory_space<hbm>> -> memref<256x64xf32, #tpu.memory_space<hbm>>
      %dma_wait3A_266 = arith.constant 0 : i32
      %dma_wait3A_267 = arith.constant 0 : i32
      %dma_wait3A_268 = tpu.memref_slice %arg6[%dma_wait3A_255, %dma_wait3A_266, %dma_wait3A_267] : memref<5x256x64xf32, #tpu.memory_space<vmem>> -> memref<1x256x64xf32, #tpu.memory_space<vmem>>
      %dma_wait3A_269 = tpu.memref_squeeze %dma_wait3A_268 : memref<1x256x64xf32, #tpu.memory_space<vmem>> -> memref<256x64xf32, #tpu.memory_space<vmem>>
      tpu.wait_dma2 semaphore(%arg8 : memref<!tpu.dma_semaphore, #tpu.memory_space<semaphore_mem>>) src(%dma_wait3A_269 : memref<256x64xf32, #tpu.memory_space<vmem>>) dst(%dma_wait3A_265 : memref<256x64xf32, #tpu.memory_space<hbm>>)
      %lt3A_270 = arith.constant 9 : i32
      %lt3A_271 = arith.cmpi slt, %scan3A_64, %lt3A_270 : i32
      %convert_element_type3A_272 = arith.extui %lt3A_271 : i1 to i32
      %cond3A_273 = arith.constant 0 : i32
      %cond3A_274 = arith.cmpi ne, %convert_element_type3A_272, %cond3A_273 : i32
      scf.if %cond3A_274 {
        %add3A_364 = arith.constant 5 : i32
        %add3A_365 = arith.addi %add3A_244, %add3A_364 : i32
        %sub3A_366 = arith.constant 1 : i32
        %sub3A_367 = arith.subi %add3A_365, %sub3A_366 : i32
        %mul3A_368 = arith.constant 256 : i32
        %mul3A_369 = arith.muli %sub3A_367, %mul3A_368 : i32
        %dma_start3A_370 = arith.constant 2 : i32
        %dma_start3A_371 = arith.constant 0 : i32
        %dma_start3A_372 = arith.constant 0 : i32
        %dma_start3A_373 = tpu.memref_slice %arg6[%dma_start3A_370, %dma_start3A_371, %dma_start3A_372] : memref<5x256x64xf32, #tpu.memory_space<vmem>> -> memref<1x256x64xf32, #tpu.memory_space<vmem>>
        %dma_start3A_374 = tpu.memref_squeeze %dma_start3A_373 : memref<1x256x64xf32, #tpu.memory_space<vmem>> -> memref<256x64xf32, #tpu.memory_space<vmem>>
        %dma_start3A_375 = tpu.memref_slice %arg5[%mul3A_369] : memref<12800xi32, #tpu.memory_space<vmem>> -> memref<256xi32, #tpu.memory_space<vmem>>
        %dma_start3A_376 = arith.constant 0 : i32
        %dma_start3A_377 = arith.constant 0 : i32
        %dma_start3A_378 = tpu.memref_slice %arg3[%dma_start3A_376, %dma_start3A_377] : memref<1015808x64xf32, #tpu.memory_space<hbm>> -> memref<1015808x64xf32, #tpu.memory_space<hbm>>
        tpu.enqueue_indirect_dma source(%dma_start3A_378 : memref<1015808x64xf32, #tpu.memory_space<hbm>>) target(%dma_start3A_374 : memref<256x64xf32, #tpu.memory_space<vmem>>) offsets(%dma_start3A_375 : memref<256xi32, #tpu.memory_space<vmem>>) semaphore(%arg7 : memref<!tpu.dma_semaphore, #tpu.memory_space<semaphore_mem>>)
      } else {
      }
      %mul3A_275 = arith.constant 256 : i32
      %mul3A_276 = arith.muli %add3A_244, %mul3A_275 : i32
      %add3A_277 = arith.addi %mul3A_2, %mul3A_276 : i32
      %shift_right_arithmetic3A_278 = arith.constant 11 : i32
      %shift_right_arithmetic3A_279 = arith.shrsi %add3A_277, %shift_right_arithmetic3A_278 : i32
      %and3A_280 = arith.constant 1 : i32
      %and3A_281 = arith.andi %shift_right_arithmetic3A_279, %and3A_280 : i32
      %shift_right_arithmetic3A_282 = arith.constant 12 : i32
      %shift_right_arithmetic3A_283 = arith.shrsi %add3A_277, %shift_right_arithmetic3A_282 : i32
      %shift_left3A_284 = arith.constant 11 : i32
      %shift_left3A_285 = arith.shli %shift_right_arithmetic3A_283, %shift_left3A_284 : i32
      %and3A_286 = arith.constant 2047 : i32
      %and3A_287 = arith.andi %add3A_277, %and3A_286 : i32
      %add3A_288 = arith.addi %shift_left3A_285, %and3A_287 : i32
      %mul3A_289 = arith.constant 64 : i32
      %mul3A_290 = arith.muli %and3A_281, %mul3A_289 : i32
      %dma_start3A_291 = arith.constant 3 : i32
      %dma_start3A_292 = arith.constant 0 : i32
      %dma_start3A_293 = arith.constant 0 : i32
      %dma_start3A_294 = tpu.memref_slice %arg6[%dma_start3A_291, %dma_start3A_292, %dma_start3A_293] : memref<5x256x64xf32, #tpu.memory_space<vmem>> -> memref<1x256x64xf32, #tpu.memory_space<vmem>>
      %dma_start3A_295 = tpu.memref_squeeze %dma_start3A_294 : memref<1x256x64xf32, #tpu.memory_space<vmem>> -> memref<256x64xf32, #tpu.memory_space<vmem>>
      %dma_start3A_296 = tpu.memref_slice %arg4[%add3A_288, %mul3A_290] : memref<204800x128xf32, #tpu.memory_space<hbm>> -> memref<256x64xf32, #tpu.memory_space<hbm>>
      %dma_start3A_297 = tpu.memref_slice %arg4[%add3A_288, %mul3A_290] : memref<204800x128xf32, #tpu.memory_space<hbm>> -> memref<256x64xf32, #tpu.memory_space<hbm>>
      %dma_start3A_298 = arith.constant 0 : i32
      %dma_start3A_299 = arith.constant 0 : i32
      %dma_start3A_300 = tpu.memref_slice %arg6[%dma_start3A_291, %dma_start3A_298, %dma_start3A_299] : memref<5x256x64xf32, #tpu.memory_space<vmem>> -> memref<1x256x64xf32, #tpu.memory_space<vmem>>
      %dma_start3A_301 = tpu.memref_squeeze %dma_start3A_300 : memref<1x256x64xf32, #tpu.memory_space<vmem>> -> memref<256x64xf32, #tpu.memory_space<vmem>>
      tpu.enqueue_dma source(%dma_start3A_301 : memref<256x64xf32, #tpu.memory_space<vmem>>) target(%dma_start3A_297 : memref<256x64xf32, #tpu.memory_space<hbm>>) target_semaphore(%arg8 : memref<!tpu.dma_semaphore, #tpu.memory_space<semaphore_mem>>)
      %mul3A_302 = arith.constant 5 : i32
      %mul3A_303 = arith.muli %scan3A_64, %mul3A_302 : i32
      %add3A_304 = arith.constant 4 : i32
      %add3A_305 = arith.addi %mul3A_303, %add3A_304 : i32
      %dma_wait3A_306 = arith.constant 4 : i32
      %dma_wait3A_307 = arith.constant 0 : i32
      %dma_wait3A_308 = arith.constant 0 : i32
      %dma_wait3A_309 = tpu.memref_slice %arg6[%dma_wait3A_306, %dma_wait3A_307, %dma_wait3A_308] : memref<5x256x64xf32, #tpu.memory_space<vmem>> -> memref<1x256x64xf32, #tpu.memory_space<vmem>>
      %dma_wait3A_310 = tpu.memref_squeeze %dma_wait3A_309 : memref<1x256x64xf32, #tpu.memory_space<vmem>> -> memref<256x64xf32, #tpu.memory_space<vmem>>
      %dma_wait3A_311 = arith.constant 0 : i32
      %dma_wait3A_312 = tpu.memref_slice %arg5[%dma_wait3A_311] : memref<12800xi32, #tpu.memory_space<vmem>> -> memref<256xi32, #tpu.memory_space<vmem>>
      %dma_wait3A_313 = arith.constant 0 : i32
      %dma_wait3A_314 = arith.constant 0 : i32
      %dma_wait3A_315 = tpu.memref_slice %arg3[%dma_wait3A_313, %dma_wait3A_314] : memref<1015808x64xf32, #tpu.memory_space<hbm>> -> memref<1015808x64xf32, #tpu.memory_space<hbm>>
      tpu.wait_indirect_dma semaphore(%arg7 : memref<!tpu.dma_semaphore, #tpu.memory_space<semaphore_mem>>) src(%dma_wait3A_315 : memref<1015808x64xf32, #tpu.memory_space<hbm>>) dst(%dma_wait3A_310 : memref<256x64xf32, #tpu.memory_space<vmem>>)
      %dma_wait3A_316 = arith.constant 3 : i32
      %dma_wait3A_317 = arith.constant 0 : i32
      %dma_wait3A_318 = arith.constant 0 : i32
      %dma_wait3A_319 = tpu.memref_slice %arg6[%dma_wait3A_316, %dma_wait3A_317, %dma_wait3A_318] : memref<5x256x64xf32, #tpu.memory_space<vmem>> -> memref<1x256x64xf32, #tpu.memory_space<vmem>>
      %dma_wait3A_320 = tpu.memref_squeeze %dma_wait3A_319 : memref<1x256x64xf32, #tpu.memory_space<vmem>> -> memref<256x64xf32, #tpu.memory_space<vmem>>
      %dma_wait3A_321 = arith.constant 0 : i32
      %dma_wait3A_322 = arith.constant 0 : i32
      %dma_wait3A_323 = tpu.memref_slice %arg4[%dma_wait3A_321, %dma_wait3A_322] : memref<204800x128xf32, #tpu.memory_space<hbm>> -> memref<256x64xf32, #tpu.memory_space<hbm>>
      %dma_wait3A_324 = arith.constant 0 : i32
      %dma_wait3A_325 = arith.constant 0 : i32
      %dma_wait3A_326 = tpu.memref_slice %arg4[%dma_wait3A_324, %dma_wait3A_325] : memref<204800x128xf32, #tpu.memory_space<hbm>> -> memref<256x64xf32, #tpu.memory_space<hbm>>
      %dma_wait3A_327 = arith.constant 0 : i32
      %dma_wait3A_328 = arith.constant 0 : i32
      %dma_wait3A_329 = tpu.memref_slice %arg6[%dma_wait3A_316, %dma_wait3A_327, %dma_wait3A_328] : memref<5x256x64xf32, #tpu.memory_space<vmem>> -> memref<1x256x64xf32, #tpu.memory_space<vmem>>
      %dma_wait3A_330 = tpu.memref_squeeze %dma_wait3A_329 : memref<1x256x64xf32, #tpu.memory_space<vmem>> -> memref<256x64xf32, #tpu.memory_space<vmem>>
      tpu.wait_dma2 semaphore(%arg8 : memref<!tpu.dma_semaphore, #tpu.memory_space<semaphore_mem>>) src(%dma_wait3A_330 : memref<256x64xf32, #tpu.memory_space<vmem>>) dst(%dma_wait3A_326 : memref<256x64xf32, #tpu.memory_space<hbm>>)
      %lt3A_331 = arith.constant 9 : i32
      %lt3A_332 = arith.cmpi slt, %scan3A_64, %lt3A_331 : i32
      %convert_element_type3A_333 = arith.extui %lt3A_332 : i1 to i32
      %cond3A_334 = arith.constant 0 : i32
      %cond3A_335 = arith.cmpi ne, %convert_element_type3A_333, %cond3A_334 : i32
      scf.if %cond3A_335 {
        %add3A_364 = arith.constant 5 : i32
        %add3A_365 = arith.addi %add3A_305, %add3A_364 : i32
        %sub3A_366 = arith.constant 1 : i32
        %sub3A_367 = arith.subi %add3A_365, %sub3A_366 : i32
        %mul3A_368 = arith.constant 256 : i32
        %mul3A_369 = arith.muli %sub3A_367, %mul3A_368 : i32
        %dma_start3A_370 = arith.constant 3 : i32
        %dma_start3A_371 = arith.constant 0 : i32
        %dma_start3A_372 = arith.constant 0 : i32
        %dma_start3A_373 = tpu.memref_slice %arg6[%dma_start3A_370, %dma_start3A_371, %dma_start3A_372] : memref<5x256x64xf32, #tpu.memory_space<vmem>> -> memref<1x256x64xf32, #tpu.memory_space<vmem>>
        %dma_start3A_374 = tpu.memref_squeeze %dma_start3A_373 : memref<1x256x64xf32, #tpu.memory_space<vmem>> -> memref<256x64xf32, #tpu.memory_space<vmem>>
        %dma_start3A_375 = tpu.memref_slice %arg5[%mul3A_369] : memref<12800xi32, #tpu.memory_space<vmem>> -> memref<256xi32, #tpu.memory_space<vmem>>
        %dma_start3A_376 = arith.constant 0 : i32
        %dma_start3A_377 = arith.constant 0 : i32
        %dma_start3A_378 = tpu.memref_slice %arg3[%dma_start3A_376, %dma_start3A_377] : memref<1015808x64xf32, #tpu.memory_space<hbm>> -> memref<1015808x64xf32, #tpu.memory_space<hbm>>
        tpu.enqueue_indirect_dma source(%dma_start3A_378 : memref<1015808x64xf32, #tpu.memory_space<hbm>>) target(%dma_start3A_374 : memref<256x64xf32, #tpu.memory_space<vmem>>) offsets(%dma_start3A_375 : memref<256xi32, #tpu.memory_space<vmem>>) semaphore(%arg7 : memref<!tpu.dma_semaphore, #tpu.memory_space<semaphore_mem>>)
      } else {
      }
      %mul3A_336 = arith.constant 256 : i32
      %mul3A_337 = arith.muli %add3A_305, %mul3A_336 : i32
      %add3A_338 = arith.addi %mul3A_2, %mul3A_337 : i32
      %shift_right_arithmetic3A_339 = arith.constant 11 : i32
      %shift_right_arithmetic3A_340 = arith.shrsi %add3A_338, %shift_right_arithmetic3A_339 : i32
      %and3A_341 = arith.constant 1 : i32
      %and3A_342 = arith.andi %shift_right_arithmetic3A_340, %and3A_341 : i32
      %shift_right_arithmetic3A_343 = arith.constant 12 : i32
      %shift_right_arithmetic3A_344 = arith.shrsi %add3A_338, %shift_right_arithmetic3A_343 : i32
      %shift_left3A_345 = arith.constant 11 : i32
      %shift_left3A_346 = arith.shli %shift_right_arithmetic3A_344, %shift_left3A_345 : i32
      %and3A_347 = arith.constant 2047 : i32
      %and3A_348 = arith.andi %add3A_338, %and3A_347 : i32
      %add3A_349 = arith.addi %shift_left3A_346, %and3A_348 : i32
      %mul3A_350 = arith.constant 64 : i32
      %mul3A_351 = arith.muli %and3A_342, %mul3A_350 : i32
      %dma_start3A_352 = arith.constant 4 : i32
      %dma_start3A_353 = arith.constant 0 : i32
      %dma_start3A_354 = arith.constant 0 : i32
      %dma_start3A_355 = tpu.memref_slice %arg6[%dma_start3A_352, %dma_start3A_353, %dma_start3A_354] : memref<5x256x64xf32, #tpu.memory_space<vmem>> -> memref<1x256x64xf32, #tpu.memory_space<vmem>>
      %dma_start3A_356 = tpu.memref_squeeze %dma_start3A_355 : memref<1x256x64xf32, #tpu.memory_space<vmem>> -> memref<256x64xf32, #tpu.memory_space<vmem>>
      %dma_start3A_357 = tpu.memref_slice %arg4[%add3A_349, %mul3A_351] : memref<204800x128xf32, #tpu.memory_space<hbm>> -> memref<256x64xf32, #tpu.memory_space<hbm>>
      %dma_start3A_358 = tpu.memref_slice %arg4[%add3A_349, %mul3A_351] : memref<204800x128xf32, #tpu.memory_space<hbm>> -> memref<256x64xf32, #tpu.memory_space<hbm>>
      %dma_start3A_359 = arith.constant 0 : i32
      %dma_start3A_360 = arith.constant 0 : i32
      %dma_start3A_361 = tpu.memref_slice %arg6[%dma_start3A_352, %dma_start3A_359, %dma_start3A_360] : memref<5x256x64xf32, #tpu.memory_space<vmem>> -> memref<1x256x64xf32, #tpu.memory_space<vmem>>
      %dma_start3A_362 = tpu.memref_squeeze %dma_start3A_361 : memref<1x256x64xf32, #tpu.memory_space<vmem>> -> memref<256x64xf32, #tpu.memory_space<vmem>>
      tpu.enqueue_dma source(%dma_start3A_362 : memref<256x64xf32, #tpu.memory_space<vmem>>) target(%dma_start3A_358 : memref<256x64xf32, #tpu.memory_space<hbm>>) target_semaphore(%arg8 : memref<!tpu.dma_semaphore, #tpu.memory_space<semaphore_mem>>)
      %scan3A_363 = arith.constant 0 : i32
      scf.yield %scan3A_363 : i32
    }
    %scan3A_49 = arith.constant 10 : i32
    %dma_wait3A = arith.constant 4 : i32
    %dma_wait3A_50 = arith.constant 0 : i32
    %dma_wait3A_51 = arith.constant 0 : i32
    %dma_wait3A_52 = tpu.memref_slice %arg6[%dma_wait3A, %dma_wait3A_50, %dma_wait3A_51] : memref<5x256x64xf32, #tpu.memory_space<vmem>> -> memref<1x256x64xf32, #tpu.memory_space<vmem>>
    %dma_wait3A_53 = tpu.memref_squeeze %dma_wait3A_52 : memref<1x256x64xf32, #tpu.memory_space<vmem>> -> memref<256x64xf32, #tpu.memory_space<vmem>>
    %dma_wait3A_54 = arith.constant 0 : i32
    %dma_wait3A_55 = arith.constant 0 : i32
    %dma_wait3A_56 = tpu.memref_slice %arg4[%dma_wait3A_54, %dma_wait3A_55] : memref<204800x128xf32, #tpu.memory_space<hbm>> -> memref<256x64xf32, #tpu.memory_space<hbm>>
    %dma_wait3A_57 = arith.constant 0 : i32
    %dma_wait3A_58 = arith.constant 0 : i32
    %dma_wait3A_59 = tpu.memref_slice %arg4[%dma_wait3A_57, %dma_wait3A_58] : memref<204800x128xf32, #tpu.memory_space<hbm>> -> memref<256x64xf32, #tpu.memory_space<hbm>>
    %dma_wait3A_60 = arith.constant 0 : i32
    %dma_wait3A_61 = arith.constant 0 : i32
    %dma_wait3A_62 = tpu.memref_slice %arg6[%dma_wait3A, %dma_wait3A_60, %dma_wait3A_61] : memref<5x256x64xf32, #tpu.memory_space<vmem>> -> memref<1x256x64xf32, #tpu.memory_space<vmem>>
    %dma_wait3A_63 = tpu.memref_squeeze %dma_wait3A_62 : memref<1x256x64xf32, #tpu.memory_space<vmem>> -> memref<256x64xf32, #tpu.memory_space<vmem>>
    tpu.wait_dma2 semaphore(%arg8 : memref<!tpu.dma_semaphore, #tpu.memory_space<semaphore_mem>>) src(%dma_wait3A_63 : memref<256x64xf32, #tpu.memory_space<vmem>>) dst(%dma_wait3A_59 : memref<256x64xf32, #tpu.memory_space<hbm>>)
    return
  }
}

#map = affine_map<(d0, d1) -> (0)>
#map1 = affine_map<(d0, d1) -> (0, 0)>
module attributes {stable_mosaic.version = 14 : i64} {
  func.func @k(%arg0: i32, %arg1: i32, %arg2: memref<819200xi32, #tpu.memory_space<hbm>>, %arg3: memref<1015808x64xf32, #tpu.memory_space<hbm>>, %arg4: memref<204800x128xf32, #tpu.memory_space<hbm>>, %arg5: memref<12800xi32, #tpu.memory_space<vmem>>, %arg6: memref<5x256x64xf32, #tpu.memory_space<vmem>>, %arg7: memref<!tpu.dma_semaphore, #tpu.memory_space<semaphore_mem>>, %arg8: memref<!tpu.dma_semaphore, #tpu.memory_space<semaphore_mem>>) attributes {dimension_semantics = [#tpu.dimension_semantics<core_parallel>, #tpu.dimension_semantics<subcore_parallel>], iteration_bounds = array<i64: 2, 16>, scalar_prefetch = 0 : i64, scratch_operands = 4 : i64, tpu.core_type = #tpu.core_type<sc_vector_subcore>, window_params = [{transform_indices = #map}, {transform_indices = #map1}, {transform_indices = #map1}]} {
    %mul3A = arith.constant 2 : i32
    %mul3A_0 = arith.muli %arg1, %mul3A : i32
    %add3A = arith.addi %mul3A_0, %arg0 : i32
    %mul3A_1 = arith.constant 12800 : i32
    %mul3A_2 = arith.muli %add3A, %mul3A_1 : i32
    %add3A_3 = arith.constant 0 : i32
    %add3A_4 = arith.addi %add3A_3, %mul3A_2 : i32
    "tpu.region"() ({
      %run_scoped3A = tpu.sem_alloc : memref<!tpu.dma_semaphore, #tpu.memory_space<semaphore_mem>>
      %dma_start3A_64 = tpu.memref_slice %arg2[%add3A_4] : memref<819200xi32, #tpu.memory_space<hbm>> -> memref<12800xi32, #tpu.memory_space<hbm>>
      %dma_start3A_65 = tpu.memref_slice %arg2[%add3A_4] : memref<819200xi32, #tpu.memory_space<hbm>> -> memref<12800xi32, #tpu.memory_space<hbm>>
      tpu.enqueue_dma source(%dma_start3A_65 : memref<12800xi32, #tpu.memory_space<hbm>>) target(%arg5 : memref<12800xi32, #tpu.memory_space<vmem>>) target_semaphore(%run_scoped3A : memref<!tpu.dma_semaphore, #tpu.memory_space<semaphore_mem>>)
      %dma_wait3A_66 = tpu.memref_slice %arg2[%add3A_4] : memref<819200xi32, #tpu.memory_space<hbm>> -> memref<12800xi32, #tpu.memory_space<hbm>>
      %dma_wait3A_67 = tpu.memref_slice %arg2[%add3A_4] : memref<819200xi32, #tpu.memory_space<hbm>> -> memref<12800xi32, #tpu.memory_space<hbm>>
      tpu.wait_dma2 semaphore(%run_scoped3A : memref<!tpu.dma_semaphore, #tpu.memory_space<semaphore_mem>>) src(%dma_wait3A_67 : memref<12800xi32, #tpu.memory_space<hbm>>) dst(%arg5 : memref<12800xi32, #tpu.memory_space<vmem>>)
      tpu.yield
    }) : () -> ()
    %dma_start3A = arith.constant 0 : i32
    %dma_start3A_5 = arith.constant 0 : i32
    %dma_start3A_6 = arith.constant 0 : i32
    %dma_start3A_7 = tpu.memref_slice %arg6[%dma_start3A, %dma_start3A_5, %dma_start3A_6] : memref<5x256x64xf32, #tpu.memory_space<vmem>> -> memref<1x256x64xf32, #tpu.memory_space<vmem>>
    %dma_start3A_8 = tpu.memref_squeeze %dma_start3A_7 : memref<1x256x64xf32, #tpu.memory_space<vmem>> -> memref<256x64xf32, #tpu.memory_space<vmem>>
    %dma_start3A_9 = arith.constant 0 : i32
    %dma_start3A_10 = tpu.memref_slice %arg5[%dma_start3A_9] : memref<12800xi32, #tpu.memory_space<vmem>> -> memref<256xi32, #tpu.memory_space<vmem>>
    %dma_start3A_11 = arith.constant 0 : i32
    %dma_start3A_12 = arith.constant 0 : i32
    %dma_start3A_13 = tpu.memref_slice %arg3[%dma_start3A_11, %dma_start3A_12] : memref<1015808x64xf32, #tpu.memory_space<hbm>> -> memref<1015808x64xf32, #tpu.memory_space<hbm>>
    tpu.enqueue_indirect_dma source(%dma_start3A_13 : memref<1015808x64xf32, #tpu.memory_space<hbm>>) target(%dma_start3A_8 : memref<256x64xf32, #tpu.memory_space<vmem>>) offsets(%dma_start3A_10 : memref<256xi32, #tpu.memory_space<vmem>>) semaphore(%arg7 : memref<!tpu.dma_semaphore, #tpu.memory_space<semaphore_mem>>)
    %dma_start3A_14 = arith.constant 1 : i32
    %dma_start3A_15 = arith.constant 0 : i32
    %dma_start3A_16 = arith.constant 0 : i32
    %dma_start3A_17 = tpu.memref_slice %arg6[%dma_start3A_14, %dma_start3A_15, %dma_start3A_16] : memref<5x256x64xf32, #tpu.memory_space<vmem>> -> memref<1x256x64xf32, #tpu.memory_space<vmem>>
    %dma_start3A_18 = tpu.memref_squeeze %dma_start3A_17 : memref<1x256x64xf32, #tpu.memory_space<vmem>> -> memref<256x64xf32, #tpu.memory_space<vmem>>
    %dma_start3A_19 = arith.constant 256 : i32
    %dma_start3A_20 = tpu.memref_slice %arg5[%dma_start3A_19] : memref<12800xi32, #tpu.memory_space<vmem>> -> memref<256xi32, #tpu.memory_space<vmem>>
    %dma_start3A_21 = arith.constant 0 : i32
    %dma_start3A_22 = arith.constant 0 : i32
    %dma_start3A_23 = tpu.memref_slice %arg3[%dma_start3A_21, %dma_start3A_22] : memref<1015808x64xf32, #tpu.memory_space<hbm>> -> memref<1015808x64xf32, #tpu.memory_space<hbm>>
    tpu.enqueue_indirect_dma source(%dma_start3A_23 : memref<1015808x64xf32, #tpu.memory_space<hbm>>) target(%dma_start3A_18 : memref<256x64xf32, #tpu.memory_space<vmem>>) offsets(%dma_start3A_20 : memref<256xi32, #tpu.memory_space<vmem>>) semaphore(%arg7 : memref<!tpu.dma_semaphore, #tpu.memory_space<semaphore_mem>>)
    %dma_start3A_24 = arith.constant 2 : i32
    %dma_start3A_25 = arith.constant 0 : i32
    %dma_start3A_26 = arith.constant 0 : i32
    %dma_start3A_27 = tpu.memref_slice %arg6[%dma_start3A_24, %dma_start3A_25, %dma_start3A_26] : memref<5x256x64xf32, #tpu.memory_space<vmem>> -> memref<1x256x64xf32, #tpu.memory_space<vmem>>
    %dma_start3A_28 = tpu.memref_squeeze %dma_start3A_27 : memref<1x256x64xf32, #tpu.memory_space<vmem>> -> memref<256x64xf32, #tpu.memory_space<vmem>>
    %dma_start3A_29 = arith.constant 512 : i32
    %dma_start3A_30 = tpu.memref_slice %arg5[%dma_start3A_29] : memref<12800xi32, #tpu.memory_space<vmem>> -> memref<256xi32, #tpu.memory_space<vmem>>
    %dma_start3A_31 = arith.constant 0 : i32
    %dma_start3A_32 = arith.constant 0 : i32
    %dma_start3A_33 = tpu.memref_slice %arg3[%dma_start3A_31, %dma_start3A_32] : memref<1015808x64xf32, #tpu.memory_space<hbm>> -> memref<1015808x64xf32, #tpu.memory_space<hbm>>
    tpu.enqueue_indirect_dma source(%dma_start3A_33 : memref<1015808x64xf32, #tpu.memory_space<hbm>>) target(%dma_start3A_28 : memref<256x64xf32, #tpu.memory_space<vmem>>) offsets(%dma_start3A_30 : memref<256xi32, #tpu.memory_space<vmem>>) semaphore(%arg7 : memref<!tpu.dma_semaphore, #tpu.memory_space<semaphore_mem>>)
    %dma_start3A_34 = arith.constant 3 : i32
    %dma_start3A_35 = arith.constant 0 : i32
    %dma_start3A_36 = arith.constant 0 : i32
    %dma_start3A_37 = tpu.memref_slice %arg6[%dma_start3A_34, %dma_start3A_35, %dma_start3A_36] : memref<5x256x64xf32, #tpu.memory_space<vmem>> -> memref<1x256x64xf32, #tpu.memory_space<vmem>>
    %dma_start3A_38 = tpu.memref_squeeze %dma_start3A_37 : memref<1x256x64xf32, #tpu.memory_space<vmem>> -> memref<256x64xf32, #tpu.memory_space<vmem>>
    %dma_start3A_39 = arith.constant 768 : i32
    %dma_start3A_40 = tpu.memref_slice %arg5[%dma_start3A_39] : memref<12800xi32, #tpu.memory_space<vmem>> -> memref<256xi32, #tpu.memory_space<vmem>>
    %dma_start3A_41 = arith.constant 0 : i32
    %dma_start3A_42 = arith.constant 0 : i32
    %dma_start3A_43 = tpu.memref_slice %arg3[%dma_start3A_41, %dma_start3A_42] : memref<1015808x64xf32, #tpu.memory_space<hbm>> -> memref<1015808x64xf32, #tpu.memory_space<hbm>>
    tpu.enqueue_indirect_dma source(%dma_start3A_43 : memref<1015808x64xf32, #tpu.memory_space<hbm>>) target(%dma_start3A_38 : memref<256x64xf32, #tpu.memory_space<vmem>>) offsets(%dma_start3A_40 : memref<256xi32, #tpu.memory_space<vmem>>) semaphore(%arg7 : memref<!tpu.dma_semaphore, #tpu.memory_space<semaphore_mem>>)
    %scan3A = arith.constant 0 : i32
    %scan3A_44 = arith.constant 0 : i32
    %scan3A_45 = arith.constant 10 : i32
    %scan3A_46 = arith.addi %scan3A_44, %scan3A_45 : i32
    %scan3A_47 = arith.constant 1 : i32
    %scan3A_48 = scf.for %scan3A_64 = %scan3A_44 to %scan3A_46 step %scan3A_47 iter_args(%scan3A_65 = %scan3A) -> (i32)  : i32 {
      %mul3A_66 = arith.constant 5 : i32
      %mul3A_67 = arith.muli %scan3A_64, %mul3A_66 : i32
      %add3A_68 = arith.constant 0 : i32
      %add3A_69 = arith.addi %mul3A_67, %add3A_68 : i32
      %dma_wait3A_70 = arith.constant 0 : i32
      %dma_wait3A_71 = arith.constant 0 : i32
      %dma_wait3A_72 = arith.constant 0 : i32
      %dma_wait3A_73 = tpu.memref_slice %arg6[%dma_wait3A_70, %dma_wait3A_71, %dma_wait3A_72] : memref<5x256x64xf32, #tpu.memory_space<vmem>> -> memref<1x256x64xf32, #tpu.memory_space<vmem>>
      %dma_wait3A_74 = tpu.memref_squeeze %dma_wait3A_73 : memref<1x256x64xf32, #tpu.memory_space<vmem>> -> memref<256x64xf32, #tpu.memory_space<vmem>>
      %dma_wait3A_75 = arith.constant 0 : i32
      %dma_wait3A_76 = tpu.memref_slice %arg5[%dma_wait3A_75] : memref<12800xi32, #tpu.memory_space<vmem>> -> memref<256xi32, #tpu.memory_space<vmem>>
      %dma_wait3A_77 = arith.constant 0 : i32
      %dma_wait3A_78 = arith.constant 0 : i32
      %dma_wait3A_79 = tpu.memref_slice %arg3[%dma_wait3A_77, %dma_wait3A_78] : memref<1015808x64xf32, #tpu.memory_space<hbm>> -> memref<1015808x64xf32, #tpu.memory_space<hbm>>
      tpu.wait_indirect_dma semaphore(%arg7 : memref<!tpu.dma_semaphore, #tpu.memory_space<semaphore_mem>>) src(%dma_wait3A_79 : memref<1015808x64xf32, #tpu.memory_space<hbm>>) dst(%dma_wait3A_74 : memref<256x64xf32, #tpu.memory_space<vmem>>)
      %gt3A = arith.constant 0 : i32
      %gt3A_80 = arith.cmpi sgt, %scan3A_64, %gt3A : i32
      %convert_element_type3A = arith.extui %gt3A_80 : i1 to i32
      %cond3A = arith.constant 0 : i32
      %cond3A_81 = arith.cmpi ne, %convert_element_type3A, %cond3A : i32
      scf.if %cond3A_81 {
        %dma_wait3A_364 = arith.constant 4 : i32
        %dma_wait3A_365 = arith.constant 0 : i32
        %dma_wait3A_366 = arith.constant 0 : i32
        %dma_wait3A_367 = tpu.memref_slice %arg6[%dma_wait3A_364, %dma_wait3A_365, %dma_wait3A_366] : memref<5x256x64xf32, #tpu.memory_space<vmem>> -> memref<1x256x64xf32, #tpu.memory_space<vmem>>
        %dma_wait3A_368 = tpu.memref_squeeze %dma_wait3A_367 : memref<1x256x64xf32, #tpu.memory_space<vmem>> -> memref<256x64xf32, #tpu.memory_space<vmem>>
        %dma_wait3A_369 = arith.constant 0 : i32
        %dma_wait3A_370 = arith.constant 0 : i32
        %dma_wait3A_371 = tpu.memref_slice %arg4[%dma_wait3A_369, %dma_wait3A_370] : memref<204800x128xf32, #tpu.memory_space<hbm>> -> memref<256x64xf32, #tpu.memory_space<hbm>>
        %dma_wait3A_372 = arith.constant 0 : i32
        %dma_wait3A_373 = arith.constant 0 : i32
        %dma_wait3A_374 = tpu.memref_slice %arg4[%dma_wait3A_372, %dma_wait3A_373] : memref<204800x128xf32, #tpu.memory_space<hbm>> -> memref<256x64xf32, #tpu.memory_space<hbm>>
        %dma_wait3A_375 = arith.constant 0 : i32
        %dma_wait3A_376 = arith.constant 0 : i32
        %dma_wait3A_377 = tpu.memref_slice %arg6[%dma_wait3A_364, %dma_wait3A_375, %dma_wait3A_376] : memref<5x256x64xf32, #tpu.memory_space<vmem>> -> memref<1x256x64xf32, #tpu.memory_space<vmem>>
        %dma_wait3A_378 = tpu.memref_squeeze %dma_wait3A_377 : memref<1x256x64xf32, #tpu.memory_space<vmem>> -> memref<256x64xf32, #tpu.memory_space<vmem>>
        tpu.wait_dma2 semaphore(%arg8 : memref<!tpu.dma_semaphore, #tpu.memory_space<semaphore_mem>>) src(%dma_wait3A_378 : memref<256x64xf32, #tpu.memory_space<vmem>>) dst(%dma_wait3A_374 : memref<256x64xf32, #tpu.memory_space<hbm>>)
      } else {
      }
      %add3A_82 = arith.constant 5 : i32
      %add3A_83 = arith.addi %add3A_69, %add3A_82 : i32
      %sub3A = arith.constant 1 : i32
      %sub3A_84 = arith.subi %add3A_83, %sub3A : i32
      %mul3A_85 = arith.constant 256 : i32
      %mul3A_86 = arith.muli %sub3A_84, %mul3A_85 : i32
      %dma_start3A_87 = arith.constant 4 : i32
      %dma_start3A_88 = arith.constant 0 : i32
      %dma_start3A_89 = arith.constant 0 : i32
      %dma_start3A_90 = tpu.memref_slice %arg6[%dma_start3A_87, %dma_start3A_88, %dma_start3A_89] : memref<5x256x64xf32, #tpu.memory_space<vmem>> -> memref<1x256x64xf32, #tpu.memory_space<vmem>>
      %dma_start3A_91 = tpu.memref_squeeze %dma_start3A_90 : memref<1x256x64xf32, #tpu.memory_space<vmem>> -> memref<256x64xf32, #tpu.memory_space<vmem>>
      %dma_start3A_92 = tpu.memref_slice %arg5[%mul3A_86] : memref<12800xi32, #tpu.memory_space<vmem>> -> memref<256xi32, #tpu.memory_space<vmem>>
      %dma_start3A_93 = arith.constant 0 : i32
      %dma_start3A_94 = arith.constant 0 : i32
      %dma_start3A_95 = tpu.memref_slice %arg3[%dma_start3A_93, %dma_start3A_94] : memref<1015808x64xf32, #tpu.memory_space<hbm>> -> memref<1015808x64xf32, #tpu.memory_space<hbm>>
      tpu.enqueue_indirect_dma source(%dma_start3A_95 : memref<1015808x64xf32, #tpu.memory_space<hbm>>) target(%dma_start3A_91 : memref<256x64xf32, #tpu.memory_space<vmem>>) offsets(%dma_start3A_92 : memref<256xi32, #tpu.memory_space<vmem>>) semaphore(%arg7 : memref<!tpu.dma_semaphore, #tpu.memory_space<semaphore_mem>>)
      %mul3A_96 = arith.constant 256 : i32
      %mul3A_97 = arith.muli %add3A_69, %mul3A_96 : i32
      %add3A_98 = arith.addi %mul3A_2, %mul3A_97 : i32
      %shift_right_arithmetic3A = arith.constant 11 : i32
      %shift_right_arithmetic3A_99 = arith.shrsi %add3A_98, %shift_right_arithmetic3A : i32
      %and3A = arith.constant 1 : i32
      %and3A_100 = arith.andi %shift_right_arithmetic3A_99, %and3A : i32
      %shift_right_arithmetic3A_101 = arith.constant 12 : i32
      %shift_right_arithmetic3A_102 = arith.shrsi %add3A_98, %shift_right_arithmetic3A_101 : i32
      %shift_left3A = arith.constant 11 : i32
      %shift_left3A_103 = arith.shli %shift_right_arithmetic3A_102, %shift_left3A : i32
      %and3A_104 = arith.constant 2047 : i32
      %and3A_105 = arith.andi %add3A_98, %and3A_104 : i32
      %add3A_106 = arith.addi %shift_left3A_103, %and3A_105 : i32
      %mul3A_107 = arith.constant 64 : i32
      %mul3A_108 = arith.muli %and3A_100, %mul3A_107 : i32
      %dma_start3A_109 = arith.constant 0 : i32
      %dma_start3A_110 = arith.constant 0 : i32
      %dma_start3A_111 = arith.constant 0 : i32
      %dma_start3A_112 = tpu.memref_slice %arg6[%dma_start3A_109, %dma_start3A_110, %dma_start3A_111] : memref<5x256x64xf32, #tpu.memory_space<vmem>> -> memref<1x256x64xf32, #tpu.memory_space<vmem>>
      %dma_start3A_113 = tpu.memref_squeeze %dma_start3A_112 : memref<1x256x64xf32, #tpu.memory_space<vmem>> -> memref<256x64xf32, #tpu.memory_space<vmem>>
      %dma_start3A_114 = tpu.memref_slice %arg4[%add3A_106, %mul3A_108] : memref<204800x128xf32, #tpu.memory_space<hbm>> -> memref<256x64xf32, #tpu.memory_space<hbm>>
      %dma_start3A_115 = tpu.memref_slice %arg4[%add3A_106, %mul3A_108] : memref<204800x128xf32, #tpu.memory_space<hbm>> -> memref<256x64xf32, #tpu.memory_space<hbm>>
      %dma_start3A_116 = arith.constant 0 : i32
      %dma_start3A_117 = arith.constant 0 : i32
      %dma_start3A_118 = tpu.memref_slice %arg6[%dma_start3A_109, %dma_start3A_116, %dma_start3A_117] : memref<5x256x64xf32, #tpu.memory_space<vmem>> -> memref<1x256x64xf32, #tpu.memory_space<vmem>>
      %dma_start3A_119 = tpu.memref_squeeze %dma_start3A_118 : memref<1x256x64xf32, #tpu.memory_space<vmem>> -> memref<256x64xf32, #tpu.memory_space<vmem>>
      tpu.enqueue_dma source(%dma_start3A_119 : memref<256x64xf32, #tpu.memory_space<vmem>>) target(%dma_start3A_115 : memref<256x64xf32, #tpu.memory_space<hbm>>) target_semaphore(%arg8 : memref<!tpu.dma_semaphore, #tpu.memory_space<semaphore_mem>>)
      %mul3A_120 = arith.constant 5 : i32
      %mul3A_121 = arith.muli %scan3A_64, %mul3A_120 : i32
      %add3A_122 = arith.constant 1 : i32
      %add3A_123 = arith.addi %mul3A_121, %add3A_122 : i32
      %dma_wait3A_124 = arith.constant 1 : i32
      %dma_wait3A_125 = arith.constant 0 : i32
      %dma_wait3A_126 = arith.constant 0 : i32
      %dma_wait3A_127 = tpu.memref_slice %arg6[%dma_wait3A_124, %dma_wait3A_125, %dma_wait3A_126] : memref<5x256x64xf32, #tpu.memory_space<vmem>> -> memref<1x256x64xf32, #tpu.memory_space<vmem>>
      %dma_wait3A_128 = tpu.memref_squeeze %dma_wait3A_127 : memref<1x256x64xf32, #tpu.memory_space<vmem>> -> memref<256x64xf32, #tpu.memory_space<vmem>>
      %dma_wait3A_129 = arith.constant 0 : i32
      %dma_wait3A_130 = tpu.memref_slice %arg5[%dma_wait3A_129] : memref<12800xi32, #tpu.memory_space<vmem>> -> memref<256xi32, #tpu.memory_space<vmem>>
      %dma_wait3A_131 = arith.constant 0 : i32
      %dma_wait3A_132 = arith.constant 0 : i32
      %dma_wait3A_133 = tpu.memref_slice %arg3[%dma_wait3A_131, %dma_wait3A_132] : memref<1015808x64xf32, #tpu.memory_space<hbm>> -> memref<1015808x64xf32, #tpu.memory_space<hbm>>
      tpu.wait_indirect_dma semaphore(%arg7 : memref<!tpu.dma_semaphore, #tpu.memory_space<semaphore_mem>>) src(%dma_wait3A_133 : memref<1015808x64xf32, #tpu.memory_space<hbm>>) dst(%dma_wait3A_128 : memref<256x64xf32, #tpu.memory_space<vmem>>)
      %dma_wait3A_134 = arith.constant 0 : i32
      %dma_wait3A_135 = arith.constant 0 : i32
      %dma_wait3A_136 = arith.constant 0 : i32
      %dma_wait3A_137 = tpu.memref_slice %arg6[%dma_wait3A_134, %dma_wait3A_135, %dma_wait3A_136] : memref<5x256x64xf32, #tpu.memory_space<vmem>> -> memref<1x256x64xf32, #tpu.memory_space<vmem>>
      %dma_wait3A_138 = tpu.memref_squeeze %dma_wait3A_137 : memref<1x256x64xf32, #tpu.memory_space<vmem>> -> memref<256x64xf32, #tpu.memory_space<vmem>>
      %dma_wait3A_139 = arith.constant 0 : i32
      %dma_wait3A_140 = arith.constant 0 : i32
      %dma_wait3A_141 = tpu.memref_slice %arg4[%dma_wait3A_139, %dma_wait3A_140] : memref<204800x128xf32, #tpu.memory_space<hbm>> -> memref<256x64xf32, #tpu.memory_space<hbm>>
      %dma_wait3A_142 = arith.constant 0 : i32
      %dma_wait3A_143 = arith.constant 0 : i32
      %dma_wait3A_144 = tpu.memref_slice %arg4[%dma_wait3A_142, %dma_wait3A_143] : memref<204800x128xf32, #tpu.memory_space<hbm>> -> memref<256x64xf32, #tpu.memory_space<hbm>>
      %dma_wait3A_145 = arith.constant 0 : i32
      %dma_wait3A_146 = arith.constant 0 : i32
      %dma_wait3A_147 = tpu.memref_slice %arg6[%dma_wait3A_134, %dma_wait3A_145, %dma_wait3A_146] : memref<5x256x64xf32, #tpu.memory_space<vmem>> -> memref<1x256x64xf32, #tpu.memory_space<vmem>>
      %dma_wait3A_148 = tpu.memref_squeeze %dma_wait3A_147 : memref<1x256x64xf32, #tpu.memory_space<vmem>> -> memref<256x64xf32, #tpu.memory_space<vmem>>
      tpu.wait_dma2 semaphore(%arg8 : memref<!tpu.dma_semaphore, #tpu.memory_space<semaphore_mem>>) src(%dma_wait3A_148 : memref<256x64xf32, #tpu.memory_space<vmem>>) dst(%dma_wait3A_144 : memref<256x64xf32, #tpu.memory_space<hbm>>)
      %lt3A = arith.constant 9 : i32
      %lt3A_149 = arith.cmpi slt, %scan3A_64, %lt3A : i32
      %convert_element_type3A_150 = arith.extui %lt3A_149 : i1 to i32
      %cond3A_151 = arith.constant 0 : i32
      %cond3A_152 = arith.cmpi ne, %convert_element_type3A_150, %cond3A_151 : i32
      scf.if %cond3A_152 {
        %add3A_364 = arith.constant 5 : i32
        %add3A_365 = arith.addi %add3A_123, %add3A_364 : i32
        %sub3A_366 = arith.constant 1 : i32
        %sub3A_367 = arith.subi %add3A_365, %sub3A_366 : i32
        %mul3A_368 = arith.constant 256 : i32
        %mul3A_369 = arith.muli %sub3A_367, %mul3A_368 : i32
        %dma_start3A_370 = arith.constant 0 : i32
        %dma_start3A_371 = arith.constant 0 : i32
        %dma_start3A_372 = arith.constant 0 : i32
        %dma_start3A_373 = tpu.memref_slice %arg6[%dma_start3A_370, %dma_start3A_371, %dma_start3A_372] : memref<5x256x64xf32, #tpu.memory_space<vmem>> -> memref<1x256x64xf32, #tpu.memory_space<vmem>>
        %dma_start3A_374 = tpu.memref_squeeze %dma_start3A_373 : memref<1x256x64xf32, #tpu.memory_space<vmem>> -> memref<256x64xf32, #tpu.memory_space<vmem>>
        %dma_start3A_375 = tpu.memref_slice %arg5[%mul3A_369] : memref<12800xi32, #tpu.memory_space<vmem>> -> memref<256xi32, #tpu.memory_space<vmem>>
        %dma_start3A_376 = arith.constant 0 : i32
        %dma_start3A_377 = arith.constant 0 : i32
        %dma_start3A_378 = tpu.memref_slice %arg3[%dma_start3A_376, %dma_start3A_377] : memref<1015808x64xf32, #tpu.memory_space<hbm>> -> memref<1015808x64xf32, #tpu.memory_space<hbm>>
        tpu.enqueue_indirect_dma source(%dma_start3A_378 : memref<1015808x64xf32, #tpu.memory_space<hbm>>) target(%dma_start3A_374 : memref<256x64xf32, #tpu.memory_space<vmem>>) offsets(%dma_start3A_375 : memref<256xi32, #tpu.memory_space<vmem>>) semaphore(%arg7 : memref<!tpu.dma_semaphore, #tpu.memory_space<semaphore_mem>>)
      } else {
      }
      %mul3A_153 = arith.constant 256 : i32
      %mul3A_154 = arith.muli %add3A_123, %mul3A_153 : i32
      %add3A_155 = arith.addi %mul3A_2, %mul3A_154 : i32
      %shift_right_arithmetic3A_156 = arith.constant 11 : i32
      %shift_right_arithmetic3A_157 = arith.shrsi %add3A_155, %shift_right_arithmetic3A_156 : i32
      %and3A_158 = arith.constant 1 : i32
      %and3A_159 = arith.andi %shift_right_arithmetic3A_157, %and3A_158 : i32
      %shift_right_arithmetic3A_160 = arith.constant 12 : i32
      %shift_right_arithmetic3A_161 = arith.shrsi %add3A_155, %shift_right_arithmetic3A_160 : i32
      %shift_left3A_162 = arith.constant 11 : i32
      %shift_left3A_163 = arith.shli %shift_right_arithmetic3A_161, %shift_left3A_162 : i32
      %and3A_164 = arith.constant 2047 : i32
      %and3A_165 = arith.andi %add3A_155, %and3A_164 : i32
      %add3A_166 = arith.addi %shift_left3A_163, %and3A_165 : i32
      %mul3A_167 = arith.constant 64 : i32
      %mul3A_168 = arith.muli %and3A_159, %mul3A_167 : i32
      %dma_start3A_169 = arith.constant 1 : i32
      %dma_start3A_170 = arith.constant 0 : i32
      %dma_start3A_171 = arith.constant 0 : i32
      %dma_start3A_172 = tpu.memref_slice %arg6[%dma_start3A_169, %dma_start3A_170, %dma_start3A_171] : memref<5x256x64xf32, #tpu.memory_space<vmem>> -> memref<1x256x64xf32, #tpu.memory_space<vmem>>
      %dma_start3A_173 = tpu.memref_squeeze %dma_start3A_172 : memref<1x256x64xf32, #tpu.memory_space<vmem>> -> memref<256x64xf32, #tpu.memory_space<vmem>>
      %dma_start3A_174 = tpu.memref_slice %arg4[%add3A_166, %mul3A_168] : memref<204800x128xf32, #tpu.memory_space<hbm>> -> memref<256x64xf32, #tpu.memory_space<hbm>>
      %dma_start3A_175 = tpu.memref_slice %arg4[%add3A_166, %mul3A_168] : memref<204800x128xf32, #tpu.memory_space<hbm>> -> memref<256x64xf32, #tpu.memory_space<hbm>>
      %dma_start3A_176 = arith.constant 0 : i32
      %dma_start3A_177 = arith.constant 0 : i32
      %dma_start3A_178 = tpu.memref_slice %arg6[%dma_start3A_169, %dma_start3A_176, %dma_start3A_177] : memref<5x256x64xf32, #tpu.memory_space<vmem>> -> memref<1x256x64xf32, #tpu.memory_space<vmem>>
      %dma_start3A_179 = tpu.memref_squeeze %dma_start3A_178 : memref<1x256x64xf32, #tpu.memory_space<vmem>> -> memref<256x64xf32, #tpu.memory_space<vmem>>
      tpu.enqueue_dma source(%dma_start3A_179 : memref<256x64xf32, #tpu.memory_space<vmem>>) target(%dma_start3A_175 : memref<256x64xf32, #tpu.memory_space<hbm>>) target_semaphore(%arg8 : memref<!tpu.dma_semaphore, #tpu.memory_space<semaphore_mem>>)
      %mul3A_180 = arith.constant 5 : i32
      %mul3A_181 = arith.muli %scan3A_64, %mul3A_180 : i32
      %add3A_182 = arith.constant 2 : i32
      %add3A_183 = arith.addi %mul3A_181, %add3A_182 : i32
      %dma_wait3A_184 = arith.constant 2 : i32
      %dma_wait3A_185 = arith.constant 0 : i32
      %dma_wait3A_186 = arith.constant 0 : i32
      %dma_wait3A_187 = tpu.memref_slice %arg6[%dma_wait3A_184, %dma_wait3A_185, %dma_wait3A_186] : memref<5x256x64xf32, #tpu.memory_space<vmem>> -> memref<1x256x64xf32, #tpu.memory_space<vmem>>
      %dma_wait3A_188 = tpu.memref_squeeze %dma_wait3A_187 : memref<1x256x64xf32, #tpu.memory_space<vmem>> -> memref<256x64xf32, #tpu.memory_space<vmem>>
      %dma_wait3A_189 = arith.constant 0 : i32
      %dma_wait3A_190 = tpu.memref_slice %arg5[%dma_wait3A_189] : memref<12800xi32, #tpu.memory_space<vmem>> -> memref<256xi32, #tpu.memory_space<vmem>>
      %dma_wait3A_191 = arith.constant 0 : i32
      %dma_wait3A_192 = arith.constant 0 : i32
      %dma_wait3A_193 = tpu.memref_slice %arg3[%dma_wait3A_191, %dma_wait3A_192] : memref<1015808x64xf32, #tpu.memory_space<hbm>> -> memref<1015808x64xf32, #tpu.memory_space<hbm>>
      tpu.wait_indirect_dma semaphore(%arg7 : memref<!tpu.dma_semaphore, #tpu.memory_space<semaphore_mem>>) src(%dma_wait3A_193 : memref<1015808x64xf32, #tpu.memory_space<hbm>>) dst(%dma_wait3A_188 : memref<256x64xf32, #tpu.memory_space<vmem>>)
      %dma_wait3A_194 = arith.constant 1 : i32
      %dma_wait3A_195 = arith.constant 0 : i32
      %dma_wait3A_196 = arith.constant 0 : i32
      %dma_wait3A_197 = tpu.memref_slice %arg6[%dma_wait3A_194, %dma_wait3A_195, %dma_wait3A_196] : memref<5x256x64xf32, #tpu.memory_space<vmem>> -> memref<1x256x64xf32, #tpu.memory_space<vmem>>
      %dma_wait3A_198 = tpu.memref_squeeze %dma_wait3A_197 : memref<1x256x64xf32, #tpu.memory_space<vmem>> -> memref<256x64xf32, #tpu.memory_space<vmem>>
      %dma_wait3A_199 = arith.constant 0 : i32
      %dma_wait3A_200 = arith.constant 0 : i32
      %dma_wait3A_201 = tpu.memref_slice %arg4[%dma_wait3A_199, %dma_wait3A_200] : memref<204800x128xf32, #tpu.memory_space<hbm>> -> memref<256x64xf32, #tpu.memory_space<hbm>>
      %dma_wait3A_202 = arith.constant 0 : i32
      %dma_wait3A_203 = arith.constant 0 : i32
      %dma_wait3A_204 = tpu.memref_slice %arg4[%dma_wait3A_202, %dma_wait3A_203] : memref<204800x128xf32, #tpu.memory_space<hbm>> -> memref<256x64xf32, #tpu.memory_space<hbm>>
      %dma_wait3A_205 = arith.constant 0 : i32
      %dma_wait3A_206 = arith.constant 0 : i32
      %dma_wait3A_207 = tpu.memref_slice %arg6[%dma_wait3A_194, %dma_wait3A_205, %dma_wait3A_206] : memref<5x256x64xf32, #tpu.memory_space<vmem>> -> memref<1x256x64xf32, #tpu.memory_space<vmem>>
      %dma_wait3A_208 = tpu.memref_squeeze %dma_wait3A_207 : memref<1x256x64xf32, #tpu.memory_space<vmem>> -> memref<256x64xf32, #tpu.memory_space<vmem>>
      tpu.wait_dma2 semaphore(%arg8 : memref<!tpu.dma_semaphore, #tpu.memory_space<semaphore_mem>>) src(%dma_wait3A_208 : memref<256x64xf32, #tpu.memory_space<vmem>>) dst(%dma_wait3A_204 : memref<256x64xf32, #tpu.memory_space<hbm>>)
      %lt3A_209 = arith.constant 9 : i32
      %lt3A_210 = arith.cmpi slt, %scan3A_64, %lt3A_209 : i32
      %convert_element_type3A_211 = arith.extui %lt3A_210 : i1 to i32
      %cond3A_212 = arith.constant 0 : i32
      %cond3A_213 = arith.cmpi ne, %convert_element_type3A_211, %cond3A_212 : i32
      scf.if %cond3A_213 {
        %add3A_364 = arith.constant 5 : i32
        %add3A_365 = arith.addi %add3A_183, %add3A_364 : i32
        %sub3A_366 = arith.constant 1 : i32
        %sub3A_367 = arith.subi %add3A_365, %sub3A_366 : i32
        %mul3A_368 = arith.constant 256 : i32
        %mul3A_369 = arith.muli %sub3A_367, %mul3A_368 : i32
        %dma_start3A_370 = arith.constant 1 : i32
        %dma_start3A_371 = arith.constant 0 : i32
        %dma_start3A_372 = arith.constant 0 : i32
        %dma_start3A_373 = tpu.memref_slice %arg6[%dma_start3A_370, %dma_start3A_371, %dma_start3A_372] : memref<5x256x64xf32, #tpu.memory_space<vmem>> -> memref<1x256x64xf32, #tpu.memory_space<vmem>>
        %dma_start3A_374 = tpu.memref_squeeze %dma_start3A_373 : memref<1x256x64xf32, #tpu.memory_space<vmem>> -> memref<256x64xf32, #tpu.memory_space<vmem>>
        %dma_start3A_375 = tpu.memref_slice %arg5[%mul3A_369] : memref<12800xi32, #tpu.memory_space<vmem>> -> memref<256xi32, #tpu.memory_space<vmem>>
        %dma_start3A_376 = arith.constant 0 : i32
        %dma_start3A_377 = arith.constant 0 : i32
        %dma_start3A_378 = tpu.memref_slice %arg3[%dma_start3A_376, %dma_start3A_377] : memref<1015808x64xf32, #tpu.memory_space<hbm>> -> memref<1015808x64xf32, #tpu.memory_space<hbm>>
        tpu.enqueue_indirect_dma source(%dma_start3A_378 : memref<1015808x64xf32, #tpu.memory_space<hbm>>) target(%dma_start3A_374 : memref<256x64xf32, #tpu.memory_space<vmem>>) offsets(%dma_start3A_375 : memref<256xi32, #tpu.memory_space<vmem>>) semaphore(%arg7 : memref<!tpu.dma_semaphore, #tpu.memory_space<semaphore_mem>>)
      } else {
      }
      %mul3A_214 = arith.constant 256 : i32
      %mul3A_215 = arith.muli %add3A_183, %mul3A_214 : i32
      %add3A_216 = arith.addi %mul3A_2, %mul3A_215 : i32
      %shift_right_arithmetic3A_217 = arith.constant 11 : i32
      %shift_right_arithmetic3A_218 = arith.shrsi %add3A_216, %shift_right_arithmetic3A_217 : i32
      %and3A_219 = arith.constant 1 : i32
      %and3A_220 = arith.andi %shift_right_arithmetic3A_218, %and3A_219 : i32
      %shift_right_arithmetic3A_221 = arith.constant 12 : i32
      %shift_right_arithmetic3A_222 = arith.shrsi %add3A_216, %shift_right_arithmetic3A_221 : i32
      %shift_left3A_223 = arith.constant 11 : i32
      %shift_left3A_224 = arith.shli %shift_right_arithmetic3A_222, %shift_left3A_223 : i32
      %and3A_225 = arith.constant 2047 : i32
      %and3A_226 = arith.andi %add3A_216, %and3A_225 : i32
      %add3A_227 = arith.addi %shift_left3A_224, %and3A_226 : i32
      %mul3A_228 = arith.constant 64 : i32
      %mul3A_229 = arith.muli %and3A_220, %mul3A_228 : i32
      %dma_start3A_230 = arith.constant 2 : i32
      %dma_start3A_231 = arith.constant 0 : i32
      %dma_start3A_232 = arith.constant 0 : i32
      %dma_start3A_233 = tpu.memref_slice %arg6[%dma_start3A_230, %dma_start3A_231, %dma_start3A_232] : memref<5x256x64xf32, #tpu.memory_space<vmem>> -> memref<1x256x64xf32, #tpu.memory_space<vmem>>
      %dma_start3A_234 = tpu.memref_squeeze %dma_start3A_233 : memref<1x256x64xf32, #tpu.memory_space<vmem>> -> memref<256x64xf32, #tpu.memory_space<vmem>>
      %dma_start3A_235 = tpu.memref_slice %arg4[%add3A_227, %mul3A_229] : memref<204800x128xf32, #tpu.memory_space<hbm>> -> memref<256x64xf32, #tpu.memory_space<hbm>>
      %dma_start3A_236 = tpu.memref_slice %arg4[%add3A_227, %mul3A_229] : memref<204800x128xf32, #tpu.memory_space<hbm>> -> memref<256x64xf32, #tpu.memory_space<hbm>>
      %dma_start3A_237 = arith.constant 0 : i32
      %dma_start3A_238 = arith.constant 0 : i32
      %dma_start3A_239 = tpu.memref_slice %arg6[%dma_start3A_230, %dma_start3A_237, %dma_start3A_238] : memref<5x256x64xf32, #tpu.memory_space<vmem>> -> memref<1x256x64xf32, #tpu.memory_space<vmem>>
      %dma_start3A_240 = tpu.memref_squeeze %dma_start3A_239 : memref<1x256x64xf32, #tpu.memory_space<vmem>> -> memref<256x64xf32, #tpu.memory_space<vmem>>
      tpu.enqueue_dma source(%dma_start3A_240 : memref<256x64xf32, #tpu.memory_space<vmem>>) target(%dma_start3A_236 : memref<256x64xf32, #tpu.memory_space<hbm>>) target_semaphore(%arg8 : memref<!tpu.dma_semaphore, #tpu.memory_space<semaphore_mem>>)
      %mul3A_241 = arith.constant 5 : i32
      %mul3A_242 = arith.muli %scan3A_64, %mul3A_241 : i32
      %add3A_243 = arith.constant 3 : i32
      %add3A_244 = arith.addi %mul3A_242, %add3A_243 : i32
      %dma_wait3A_245 = arith.constant 3 : i32
      %dma_wait3A_246 = arith.constant 0 : i32
      %dma_wait3A_247 = arith.constant 0 : i32
      %dma_wait3A_248 = tpu.memref_slice %arg6[%dma_wait3A_245, %dma_wait3A_246, %dma_wait3A_247] : memref<5x256x64xf32, #tpu.memory_space<vmem>> -> memref<1x256x64xf32, #tpu.memory_space<vmem>>
      %dma_wait3A_249 = tpu.memref_squeeze %dma_wait3A_248 : memref<1x256x64xf32, #tpu.memory_space<vmem>> -> memref<256x64xf32, #tpu.memory_space<vmem>>
      %dma_wait3A_250 = arith.constant 0 : i32
      %dma_wait3A_251 = tpu.memref_slice %arg5[%dma_wait3A_250] : memref<12800xi32, #tpu.memory_space<vmem>> -> memref<256xi32, #tpu.memory_space<vmem>>
      %dma_wait3A_252 = arith.constant 0 : i32
      %dma_wait3A_253 = arith.constant 0 : i32
      %dma_wait3A_254 = tpu.memref_slice %arg3[%dma_wait3A_252, %dma_wait3A_253] : memref<1015808x64xf32, #tpu.memory_space<hbm>> -> memref<1015808x64xf32, #tpu.memory_space<hbm>>
      tpu.wait_indirect_dma semaphore(%arg7 : memref<!tpu.dma_semaphore, #tpu.memory_space<semaphore_mem>>) src(%dma_wait3A_254 : memref<1015808x64xf32, #tpu.memory_space<hbm>>) dst(%dma_wait3A_249 : memref<256x64xf32, #tpu.memory_space<vmem>>)
      %dma_wait3A_255 = arith.constant 2 : i32
      %dma_wait3A_256 = arith.constant 0 : i32
      %dma_wait3A_257 = arith.constant 0 : i32
      %dma_wait3A_258 = tpu.memref_slice %arg6[%dma_wait3A_255, %dma_wait3A_256, %dma_wait3A_257] : memref<5x256x64xf32, #tpu.memory_space<vmem>> -> memref<1x256x64xf32, #tpu.memory_space<vmem>>
      %dma_wait3A_259 = tpu.memref_squeeze %dma_wait3A_258 : memref<1x256x64xf32, #tpu.memory_space<vmem>> -> memref<256x64xf32, #tpu.memory_space<vmem>>
      %dma_wait3A_260 = arith.constant 0 : i32
      %dma_wait3A_261 = arith.constant 0 : i32
      %dma_wait3A_262 = tpu.memref_slice %arg4[%dma_wait3A_260, %dma_wait3A_261] : memref<204800x128xf32, #tpu.memory_space<hbm>> -> memref<256x64xf32, #tpu.memory_space<hbm>>
      %dma_wait3A_263 = arith.constant 0 : i32
      %dma_wait3A_264 = arith.constant 0 : i32
      %dma_wait3A_265 = tpu.memref_slice %arg4[%dma_wait3A_263, %dma_wait3A_264] : memref<204800x128xf32, #tpu.memory_space<hbm>> -> memref<256x64xf32, #tpu.memory_space<hbm>>
      %dma_wait3A_266 = arith.constant 0 : i32
      %dma_wait3A_267 = arith.constant 0 : i32
      %dma_wait3A_268 = tpu.memref_slice %arg6[%dma_wait3A_255, %dma_wait3A_266, %dma_wait3A_267] : memref<5x256x64xf32, #tpu.memory_space<vmem>> -> memref<1x256x64xf32, #tpu.memory_space<vmem>>
      %dma_wait3A_269 = tpu.memref_squeeze %dma_wait3A_268 : memref<1x256x64xf32, #tpu.memory_space<vmem>> -> memref<256x64xf32, #tpu.memory_space<vmem>>
      tpu.wait_dma2 semaphore(%arg8 : memref<!tpu.dma_semaphore, #tpu.memory_space<semaphore_mem>>) src(%dma_wait3A_269 : memref<256x64xf32, #tpu.memory_space<vmem>>) dst(%dma_wait3A_265 : memref<256x64xf32, #tpu.memory_space<hbm>>)
      %lt3A_270 = arith.constant 9 : i32
      %lt3A_271 = arith.cmpi slt, %scan3A_64, %lt3A_270 : i32
      %convert_element_type3A_272 = arith.extui %lt3A_271 : i1 to i32
      %cond3A_273 = arith.constant 0 : i32
      %cond3A_274 = arith.cmpi ne, %convert_element_type3A_272, %cond3A_273 : i32
      scf.if %cond3A_274 {
        %add3A_364 = arith.constant 5 : i32
        %add3A_365 = arith.addi %add3A_244, %add3A_364 : i32
        %sub3A_366 = arith.constant 1 : i32
        %sub3A_367 = arith.subi %add3A_365, %sub3A_366 : i32
        %mul3A_368 = arith.constant 256 : i32
        %mul3A_369 = arith.muli %sub3A_367, %mul3A_368 : i32
        %dma_start3A_370 = arith.constant 2 : i32
        %dma_start3A_371 = arith.constant 0 : i32
        %dma_start3A_372 = arith.constant 0 : i32
        %dma_start3A_373 = tpu.memref_slice %arg6[%dma_start3A_370, %dma_start3A_371, %dma_start3A_372] : memref<5x256x64xf32, #tpu.memory_space<vmem>> -> memref<1x256x64xf32, #tpu.memory_space<vmem>>
        %dma_start3A_374 = tpu.memref_squeeze %dma_start3A_373 : memref<1x256x64xf32, #tpu.memory_space<vmem>> -> memref<256x64xf32, #tpu.memory_space<vmem>>
        %dma_start3A_375 = tpu.memref_slice %arg5[%mul3A_369] : memref<12800xi32, #tpu.memory_space<vmem>> -> memref<256xi32, #tpu.memory_space<vmem>>
        %dma_start3A_376 = arith.constant 0 : i32
        %dma_start3A_377 = arith.constant 0 : i32
        %dma_start3A_378 = tpu.memref_slice %arg3[%dma_start3A_376, %dma_start3A_377] : memref<1015808x64xf32, #tpu.memory_space<hbm>> -> memref<1015808x64xf32, #tpu.memory_space<hbm>>
        tpu.enqueue_indirect_dma source(%dma_start3A_378 : memref<1015808x64xf32, #tpu.memory_space<hbm>>) target(%dma_start3A_374 : memref<256x64xf32, #tpu.memory_space<vmem>>) offsets(%dma_start3A_375 : memref<256xi32, #tpu.memory_space<vmem>>) semaphore(%arg7 : memref<!tpu.dma_semaphore, #tpu.memory_space<semaphore_mem>>)
      } else {
      }
      %mul3A_275 = arith.constant 256 : i32
      %mul3A_276 = arith.muli %add3A_244, %mul3A_275 : i32
      %add3A_277 = arith.addi %mul3A_2, %mul3A_276 : i32
      %shift_right_arithmetic3A_278 = arith.constant 11 : i32
      %shift_right_arithmetic3A_279 = arith.shrsi %add3A_277, %shift_right_arithmetic3A_278 : i32
      %and3A_280 = arith.constant 1 : i32
      %and3A_281 = arith.andi %shift_right_arithmetic3A_279, %and3A_280 : i32
      %shift_right_arithmetic3A_282 = arith.constant 12 : i32
      %shift_right_arithmetic3A_283 = arith.shrsi %add3A_277, %shift_right_arithmetic3A_282 : i32
      %shift_left3A_284 = arith.constant 11 : i32
      %shift_left3A_285 = arith.shli %shift_right_arithmetic3A_283, %shift_left3A_284 : i32
      %and3A_286 = arith.constant 2047 : i32
      %and3A_287 = arith.andi %add3A_277, %and3A_286 : i32
      %add3A_288 = arith.addi %shift_left3A_285, %and3A_287 : i32
      %mul3A_289 = arith.constant 64 : i32
      %mul3A_290 = arith.muli %and3A_281, %mul3A_289 : i32
      %dma_start3A_291 = arith.constant 3 : i32
      %dma_start3A_292 = arith.constant 0 : i32
      %dma_start3A_293 = arith.constant 0 : i32
      %dma_start3A_294 = tpu.memref_slice %arg6[%dma_start3A_291, %dma_start3A_292, %dma_start3A_293] : memref<5x256x64xf32, #tpu.memory_space<vmem>> -> memref<1x256x64xf32, #tpu.memory_space<vmem>>
      %dma_start3A_295 = tpu.memref_squeeze %dma_start3A_294 : memref<1x256x64xf32, #tpu.memory_space<vmem>> -> memref<256x64xf32, #tpu.memory_space<vmem>>
      %dma_start3A_296 = tpu.memref_slice %arg4[%add3A_288, %mul3A_290] : memref<204800x128xf32, #tpu.memory_space<hbm>> -> memref<256x64xf32, #tpu.memory_space<hbm>>
      %dma_start3A_297 = tpu.memref_slice %arg4[%add3A_288, %mul3A_290] : memref<204800x128xf32, #tpu.memory_space<hbm>> -> memref<256x64xf32, #tpu.memory_space<hbm>>
      %dma_start3A_298 = arith.constant 0 : i32
      %dma_start3A_299 = arith.constant 0 : i32
      %dma_start3A_300 = tpu.memref_slice %arg6[%dma_start3A_291, %dma_start3A_298, %dma_start3A_299] : memref<5x256x64xf32, #tpu.memory_space<vmem>> -> memref<1x256x64xf32, #tpu.memory_space<vmem>>
      %dma_start3A_301 = tpu.memref_squeeze %dma_start3A_300 : memref<1x256x64xf32, #tpu.memory_space<vmem>> -> memref<256x64xf32, #tpu.memory_space<vmem>>
      tpu.enqueue_dma source(%dma_start3A_301 : memref<256x64xf32, #tpu.memory_space<vmem>>) target(%dma_start3A_297 : memref<256x64xf32, #tpu.memory_space<hbm>>) target_semaphore(%arg8 : memref<!tpu.dma_semaphore, #tpu.memory_space<semaphore_mem>>)
      %mul3A_302 = arith.constant 5 : i32
      %mul3A_303 = arith.muli %scan3A_64, %mul3A_302 : i32
      %add3A_304 = arith.constant 4 : i32
      %add3A_305 = arith.addi %mul3A_303, %add3A_304 : i32
      %dma_wait3A_306 = arith.constant 4 : i32
      %dma_wait3A_307 = arith.constant 0 : i32
      %dma_wait3A_308 = arith.constant 0 : i32
      %dma_wait3A_309 = tpu.memref_slice %arg6[%dma_wait3A_306, %dma_wait3A_307, %dma_wait3A_308] : memref<5x256x64xf32, #tpu.memory_space<vmem>> -> memref<1x256x64xf32, #tpu.memory_space<vmem>>
      %dma_wait3A_310 = tpu.memref_squeeze %dma_wait3A_309 : memref<1x256x64xf32, #tpu.memory_space<vmem>> -> memref<256x64xf32, #tpu.memory_space<vmem>>
      %dma_wait3A_311 = arith.constant 0 : i32
      %dma_wait3A_312 = tpu.memref_slice %arg5[%dma_wait3A_311] : memref<12800xi32, #tpu.memory_space<vmem>> -> memref<256xi32, #tpu.memory_space<vmem>>
      %dma_wait3A_313 = arith.constant 0 : i32
      %dma_wait3A_314 = arith.constant 0 : i32
      %dma_wait3A_315 = tpu.memref_slice %arg3[%dma_wait3A_313, %dma_wait3A_314] : memref<1015808x64xf32, #tpu.memory_space<hbm>> -> memref<1015808x64xf32, #tpu.memory_space<hbm>>
      tpu.wait_indirect_dma semaphore(%arg7 : memref<!tpu.dma_semaphore, #tpu.memory_space<semaphore_mem>>) src(%dma_wait3A_315 : memref<1015808x64xf32, #tpu.memory_space<hbm>>) dst(%dma_wait3A_310 : memref<256x64xf32, #tpu.memory_space<vmem>>)
      %dma_wait3A_316 = arith.constant 3 : i32
      %dma_wait3A_317 = arith.constant 0 : i32
      %dma_wait3A_318 = arith.constant 0 : i32
      %dma_wait3A_319 = tpu.memref_slice %arg6[%dma_wait3A_316, %dma_wait3A_317, %dma_wait3A_318] : memref<5x256x64xf32, #tpu.memory_space<vmem>> -> memref<1x256x64xf32, #tpu.memory_space<vmem>>
      %dma_wait3A_320 = tpu.memref_squeeze %dma_wait3A_319 : memref<1x256x64xf32, #tpu.memory_space<vmem>> -> memref<256x64xf32, #tpu.memory_space<vmem>>
      %dma_wait3A_321 = arith.constant 0 : i32
      %dma_wait3A_322 = arith.constant 0 : i32
      %dma_wait3A_323 = tpu.memref_slice %arg4[%dma_wait3A_321, %dma_wait3A_322] : memref<204800x128xf32, #tpu.memory_space<hbm>> -> memref<256x64xf32, #tpu.memory_space<hbm>>
      %dma_wait3A_324 = arith.constant 0 : i32
      %dma_wait3A_325 = arith.constant 0 : i32
      %dma_wait3A_326 = tpu.memref_slice %arg4[%dma_wait3A_324, %dma_wait3A_325] : memref<204800x128xf32, #tpu.memory_space<hbm>> -> memref<256x64xf32, #tpu.memory_space<hbm>>
      %dma_wait3A_327 = arith.constant 0 : i32
      %dma_wait3A_328 = arith.constant 0 : i32
      %dma_wait3A_329 = tpu.memref_slice %arg6[%dma_wait3A_316, %dma_wait3A_327, %dma_wait3A_328] : memref<5x256x64xf32, #tpu.memory_space<vmem>> -> memref<1x256x64xf32, #tpu.memory_space<vmem>>
      %dma_wait3A_330 = tpu.memref_squeeze %dma_wait3A_329 : memref<1x256x64xf32, #tpu.memory_space<vmem>> -> memref<256x64xf32, #tpu.memory_space<vmem>>
      tpu.wait_dma2 semaphore(%arg8 : memref<!tpu.dma_semaphore, #tpu.memory_space<semaphore_mem>>) src(%dma_wait3A_330 : memref<256x64xf32, #tpu.memory_space<vmem>>) dst(%dma_wait3A_326 : memref<256x64xf32, #tpu.memory_space<hbm>>)
      %lt3A_331 = arith.constant 9 : i32
      %lt3A_332 = arith.cmpi slt, %scan3A_64, %lt3A_331 : i32
      %convert_element_type3A_333 = arith.extui %lt3A_332 : i1 to i32
      %cond3A_334 = arith.constant 0 : i32
      %cond3A_335 = arith.cmpi ne, %convert_element_type3A_333, %cond3A_334 : i32
      scf.if %cond3A_335 {
        %add3A_364 = arith.constant 5 : i32
        %add3A_365 = arith.addi %add3A_305, %add3A_364 : i32
        %sub3A_366 = arith.constant 1 : i32
        %sub3A_367 = arith.subi %add3A_365, %sub3A_366 : i32
        %mul3A_368 = arith.constant 256 : i32
        %mul3A_369 = arith.muli %sub3A_367, %mul3A_368 : i32
        %dma_start3A_370 = arith.constant 3 : i32
        %dma_start3A_371 = arith.constant 0 : i32
        %dma_start3A_372 = arith.constant 0 : i32
        %dma_start3A_373 = tpu.memref_slice %arg6[%dma_start3A_370, %dma_start3A_371, %dma_start3A_372] : memref<5x256x64xf32, #tpu.memory_space<vmem>> -> memref<1x256x64xf32, #tpu.memory_space<vmem>>
        %dma_start3A_374 = tpu.memref_squeeze %dma_start3A_373 : memref<1x256x64xf32, #tpu.memory_space<vmem>> -> memref<256x64xf32, #tpu.memory_space<vmem>>
        %dma_start3A_375 = tpu.memref_slice %arg5[%mul3A_369] : memref<12800xi32, #tpu.memory_space<vmem>> -> memref<256xi32, #tpu.memory_space<vmem>>
        %dma_start3A_376 = arith.constant 0 : i32
        %dma_start3A_377 = arith.constant 0 : i32
        %dma_start3A_378 = tpu.memref_slice %arg3[%dma_start3A_376, %dma_start3A_377] : memref<1015808x64xf32, #tpu.memory_space<hbm>> -> memref<1015808x64xf32, #tpu.memory_space<hbm>>
        tpu.enqueue_indirect_dma source(%dma_start3A_378 : memref<1015808x64xf32, #tpu.memory_space<hbm>>) target(%dma_start3A_374 : memref<256x64xf32, #tpu.memory_space<vmem>>) offsets(%dma_start3A_375 : memref<256xi32, #tpu.memory_space<vmem>>) semaphore(%arg7 : memref<!tpu.dma_semaphore, #tpu.memory_space<semaphore_mem>>)
      } else {
      }
      %mul3A_336 = arith.constant 256 : i32
      %mul3A_337 = arith.muli %add3A_305, %mul3A_336 : i32
      %add3A_338 = arith.addi %mul3A_2, %mul3A_337 : i32
      %shift_right_arithmetic3A_339 = arith.constant 11 : i32
      %shift_right_arithmetic3A_340 = arith.shrsi %add3A_338, %shift_right_arithmetic3A_339 : i32
      %and3A_341 = arith.constant 1 : i32
      %and3A_342 = arith.andi %shift_right_arithmetic3A_340, %and3A_341 : i32
      %shift_right_arithmetic3A_343 = arith.constant 12 : i32
      %shift_right_arithmetic3A_344 = arith.shrsi %add3A_338, %shift_right_arithmetic3A_343 : i32
      %shift_left3A_345 = arith.constant 11 : i32
      %shift_left3A_346 = arith.shli %shift_right_arithmetic3A_344, %shift_left3A_345 : i32
      %and3A_347 = arith.constant 2047 : i32
      %and3A_348 = arith.andi %add3A_338, %and3A_347 : i32
      %add3A_349 = arith.addi %shift_left3A_346, %and3A_348 : i32
      %mul3A_350 = arith.constant 64 : i32
      %mul3A_351 = arith.muli %and3A_342, %mul3A_350 : i32
      %dma_start3A_352 = arith.constant 4 : i32
      %dma_start3A_353 = arith.constant 0 : i32
      %dma_start3A_354 = arith.constant 0 : i32
      %dma_start3A_355 = tpu.memref_slice %arg6[%dma_start3A_352, %dma_start3A_353, %dma_start3A_354] : memref<5x256x64xf32, #tpu.memory_space<vmem>> -> memref<1x256x64xf32, #tpu.memory_space<vmem>>
      %dma_start3A_356 = tpu.memref_squeeze %dma_start3A_355 : memref<1x256x64xf32, #tpu.memory_space<vmem>> -> memref<256x64xf32, #tpu.memory_space<vmem>>
      %dma_start3A_357 = tpu.memref_slice %arg4[%add3A_349, %mul3A_351] : memref<204800x128xf32, #tpu.memory_space<hbm>> -> memref<256x64xf32, #tpu.memory_space<hbm>>
      %dma_start3A_358 = tpu.memref_slice %arg4[%add3A_349, %mul3A_351] : memref<204800x128xf32, #tpu.memory_space<hbm>> -> memref<256x64xf32, #tpu.memory_space<hbm>>
      %dma_start3A_359 = arith.constant 0 : i32
      %dma_start3A_360 = arith.constant 0 : i32
      %dma_start3A_361 = tpu.memref_slice %arg6[%dma_start3A_352, %dma_start3A_359, %dma_start3A_360] : memref<5x256x64xf32, #tpu.memory_space<vmem>> -> memref<1x256x64xf32, #tpu.memory_space<vmem>>
      %dma_start3A_362 = tpu.memref_squeeze %dma_start3A_361 : memref<1x256x64xf32, #tpu.memory_space<vmem>> -> memref<256x64xf32, #tpu.memory_space<vmem>>
      tpu.enqueue_dma source(%dma_start3A_362 : memref<256x64xf32, #tpu.memory_space<vmem>>) target(%dma_start3A_358 : memref<256x64xf32, #tpu.memory_space<hbm>>) target_semaphore(%arg8 : memref<!tpu.dma_semaphore, #tpu.memory_space<semaphore_mem>>)
      %scan3A_363 = arith.constant 0 : i32
      scf.yield %scan3A_363 : i32
    }
    %scan3A_49 = arith.constant 10 : i32
    %dma_wait3A = arith.constant 4 : i32
    %dma_wait3A_50 = arith.constant 0 : i32
    %dma_wait3A_51 = arith.constant 0 : i32
    %dma_wait3A_52 = tpu.memref_slice %arg6[%dma_wait3A, %dma_wait3A_50, %dma_wait3A_51] : memref<5x256x64xf32, #tpu.memory_space<vmem>> -> memref<1x256x64xf32, #tpu.memory_space<vmem>>
    %dma_wait3A_53 = tpu.memref_squeeze %dma_wait3A_52 : memref<1x256x64xf32, #tpu.memory_space<vmem>> -> memref<256x64xf32, #tpu.memory_space<vmem>>
    %dma_wait3A_54 = arith.constant 0 : i32
    %dma_wait3A_55 = arith.constant 0 : i32
    %dma_wait3A_56 = tpu.memref_slice %arg4[%dma_wait3A_54, %dma_wait3A_55] : memref<204800x128xf32, #tpu.memory_space<hbm>> -> memref<256x64xf32, #tpu.memory_space<hbm>>
    %dma_wait3A_57 = arith.constant 0 : i32
    %dma_wait3A_58 = arith.constant 0 : i32
    %dma_wait3A_59 = tpu.memref_slice %arg4[%dma_wait3A_57, %dma_wait3A_58] : memref<204800x128xf32, #tpu.memory_space<hbm>> -> memref<256x64xf32, #tpu.memory_space<hbm>>
    %dma_wait3A_60 = arith.constant 0 : i32
    %dma_wait3A_61 = arith.constant 0 : i32
    %dma_wait3A_62 = tpu.memref_slice %arg6[%dma_wait3A, %dma_wait3A_60, %dma_wait3A_61] : memref<5x256x64xf32, #tpu.memory_space<vmem>> -> memref<1x256x64xf32, #tpu.memory_space<vmem>>
    %dma_wait3A_63 = tpu.memref_squeeze %dma_wait3A_62 : memref<1x256x64xf32, #tpu.memory_space<vmem>> -> memref<256x64xf32, #tpu.memory_space<vmem>>
    tpu.wait_dma2 semaphore(%arg8 : memref<!tpu.dma_semaphore, #tpu.memory_space<semaphore_mem>>) src(%dma_wait3A_63 : memref<256x64xf32, #tpu.memory_space<vmem>>) dst(%dma_wait3A_59 : memref<256x64xf32, #tpu.memory_space<hbm>>)
    return
  }
}

module attributes {stable_mosaic.version = 14 : i64} {
  func.func @body(%arg0: i32, %arg1: memref<8192x128xf32, #tpu.memory_space<vmem>>, %arg2: memref<4x64x4096xf32, #tpu.memory_space<vmem>>) attributes {dimension_semantics = [#tpu.dimension_semantics<arbitrary>], iteration_bounds = array<i64: 25>, scalar_prefetch = 0 : i64, scratch_operands = 0 : i64, tpu.core_type = #tpu.core_type<tc>, window_params = [{transform_indices = @transform_0, window_bounds = array<i64: 8192, 128>}, {transform_indices = @transform_1, window_bounds = array<i64: 4, 64, 4096>}]} {
    %get3A = arith.constant 0 : index
    %get3A_0 = arith.constant 0 : index
    %get3A_1 = vector.load %arg1[%get3A, %get3A_0] : memref<8192x128xf32, #tpu.memory_space<vmem>>, vector<2048x128xf32>
    %transpose3A = tpu.transpose %get3A_1, [1, 0] : vector<2048x128xf32> -> vector<128x2048xf32>
    %slice3A = vector.extract_strided_slice %transpose3A {offsets = [0, 0], sizes = [64, 2048], strides = [1, 1]} : vector<128x2048xf32> to vector<64x2048xf32>
    %slice3A_2 = vector.extract_strided_slice %transpose3A {offsets = [64, 0], sizes = [64, 2048], strides = [1, 1]} : vector<128x2048xf32> to vector<64x2048xf32>
    %concatenate3A = tpu.concatenate %slice3A, %slice3A_2 in 1 : vector<64x2048xf32>, vector<64x2048xf32> -> vector<64x4096xf32>
    %swap3A = arith.constant 0 : index
    %swap3A_3 = arith.constant 0 : index
    %swap3A_4 = arith.constant 0 : index
    %swap3A_5 = vector.load %arg2[%swap3A, %swap3A_3, %swap3A_4] : memref<4x64x4096xf32, #tpu.memory_space<vmem>>, vector<1x64x4096xf32>
    %swap3A_6 = vector.shape_cast %swap3A_5 : vector<1x64x4096xf32> to vector<64x4096xf32>
    %swap3A_7 = vector.shape_cast %concatenate3A : vector<64x4096xf32> to vector<1x64x4096xf32>
    tpu.vector_store %arg2[%swap3A, %swap3A_3, %swap3A_4], %swap3A_7 {strides = array<i32>} : memref<4x64x4096xf32, #tpu.memory_space<vmem>>, vector<1x64x4096xf32>,
    %get3A_8 = arith.constant 2048 : index
    %get3A_9 = arith.constant 0 : index
    %get3A_10 = vector.load %arg1[%get3A_8, %get3A_9] : memref<8192x128xf32, #tpu.memory_space<vmem>>, vector<2048x128xf32>
    %transpose3A_11 = tpu.transpose %get3A_10, [1, 0] : vector<2048x128xf32> -> vector<128x2048xf32>
    %slice3A_12 = vector.extract_strided_slice %transpose3A_11 {offsets = [0, 0], sizes = [64, 2048], strides = [1, 1]} : vector<128x2048xf32> to vector<64x2048xf32>
    %slice3A_13 = vector.extract_strided_slice %transpose3A_11 {offsets = [64, 0], sizes = [64, 2048], strides = [1, 1]} : vector<128x2048xf32> to vector<64x2048xf32>
    %concatenate3A_14 = tpu.concatenate %slice3A_12, %slice3A_13 in 1 : vector<64x2048xf32>, vector<64x2048xf32> -> vector<64x4096xf32>
    %swap3A_15 = arith.constant 1 : index
    %swap3A_16 = arith.constant 0 : index
    %swap3A_17 = arith.constant 0 : index
    %swap3A_18 = vector.load %arg2[%swap3A_15, %swap3A_16, %swap3A_17] : memref<4x64x4096xf32, #tpu.memory_space<vmem>>, vector<1x64x4096xf32>
    %swap3A_19 = vector.shape_cast %swap3A_18 : vector<1x64x4096xf32> to vector<64x4096xf32>
    %swap3A_20 = vector.shape_cast %concatenate3A_14 : vector<64x4096xf32> to vector<1x64x4096xf32>
    tpu.vector_store %arg2[%swap3A_15, %swap3A_16, %swap3A_17], %swap3A_20 {strides = array<i32>} : memref<4x64x4096xf32, #tpu.memory_space<vmem>>, vector<1x64x4096xf32>,
    %get3A_21 = arith.constant 4096 : index
    %get3A_22 = arith.constant 0 : index
    %get3A_23 = vector.load %arg1[%get3A_21, %get3A_22] : memref<8192x128xf32, #tpu.memory_space<vmem>>, vector<2048x128xf32>
    %transpose3A_24 = tpu.transpose %get3A_23, [1, 0] : vector<2048x128xf32> -> vector<128x2048xf32>
    %slice3A_25 = vector.extract_strided_slice %transpose3A_24 {offsets = [0, 0], sizes = [64, 2048], strides = [1, 1]} : vector<128x2048xf32> to vector<64x2048xf32>
    %slice3A_26 = vector.extract_strided_slice %transpose3A_24 {offsets = [64, 0], sizes = [64, 2048], strides = [1, 1]} : vector<128x2048xf32> to vector<64x2048xf32>
    %concatenate3A_27 = tpu.concatenate %slice3A_25, %slice3A_26 in 1 : vector<64x2048xf32>, vector<64x2048xf32> -> vector<64x4096xf32>
    %swap3A_28 = arith.constant 2 : index
    %swap3A_29 = arith.constant 0 : index
    %swap3A_30 = arith.constant 0 : index
    %swap3A_31 = vector.load %arg2[%swap3A_28, %swap3A_29, %swap3A_30] : memref<4x64x4096xf32, #tpu.memory_space<vmem>>, vector<1x64x4096xf32>
    %swap3A_32 = vector.shape_cast %swap3A_31 : vector<1x64x4096xf32> to vector<64x4096xf32>
    %swap3A_33 = vector.shape_cast %concatenate3A_27 : vector<64x4096xf32> to vector<1x64x4096xf32>
    tpu.vector_store %arg2[%swap3A_28, %swap3A_29, %swap3A_30], %swap3A_33 {strides = array<i32>} : memref<4x64x4096xf32, #tpu.memory_space<vmem>>, vector<1x64x4096xf32>,
    %get3A_34 = arith.constant 6144 : index
    %get3A_35 = arith.constant 0 : index
    %get3A_36 = vector.load %arg1[%get3A_34, %get3A_35] : memref<8192x128xf32, #tpu.memory_space<vmem>>, vector<2048x128xf32>
    %transpose3A_37 = tpu.transpose %get3A_36, [1, 0] : vector<2048x128xf32> -> vector<128x2048xf32>
    %slice3A_38 = vector.extract_strided_slice %transpose3A_37 {offsets = [0, 0], sizes = [64, 2048], strides = [1, 1]} : vector<128x2048xf32> to vector<64x2048xf32>
    %slice3A_39 = vector.extract_strided_slice %transpose3A_37 {offsets = [64, 0], sizes = [64, 2048], strides = [1, 1]} : vector<128x2048xf32> to vector<64x2048xf32>
    %concatenate3A_40 = tpu.concatenate %slice3A_38, %slice3A_39 in 1 : vector<64x2048xf32>, vector<64x2048xf32> -> vector<64x4096xf32>
    %swap3A_41 = arith.constant 3 : index
    %swap3A_42 = arith.constant 0 : index
    %swap3A_43 = arith.constant 0 : index
    %swap3A_44 = vector.load %arg2[%swap3A_41, %swap3A_42, %swap3A_43] : memref<4x64x4096xf32, #tpu.memory_space<vmem>>, vector<1x64x4096xf32>
    %swap3A_45 = vector.shape_cast %swap3A_44 : vector<1x64x4096xf32> to vector<64x4096xf32>
    %swap3A_46 = vector.shape_cast %concatenate3A_40 : vector<64x4096xf32> to vector<1x64x4096xf32>
    tpu.vector_store %arg2[%swap3A_41, %swap3A_42, %swap3A_43], %swap3A_46 {strides = array<i32>} : memref<4x64x4096xf32, #tpu.memory_space<vmem>>, vector<1x64x4096xf32>,
    return
  }
  func.func @transform_0(%arg0: i32) -> (i32, i32) {
    %c0_i32 = arith.constant 0 : i32
    %c0_i32_0 = arith.constant 0 : i32
    return %arg0, %c0_i32 : i32, i32
  }
  func.func @transform_1(%arg0: i32) -> (i32, i32, i32) {
    %add3A = arith.constant 0 : i32
    %add3A_0 = arith.addi %arg0, %add3A : i32
    %c0_i32 = arith.constant 0 : i32
    %c0_i32_1 = arith.constant 0 : i32
    %c0_i32_2 = arith.constant 0 : i32
    return %add3A_0, %c0_i32, %c0_i32_1 : i32, i32, i32
  }
}

module attributes {stable_mosaic.version = 14 : i64} {
  func.func @body(%arg0: i32, %arg1: memref<64x32768xf32, #tpu.memory_space<vmem>>, %arg2: memref<16384x128xf32, #tpu.memory_space<vmem>>) attributes {dimension_semantics = [#tpu.dimension_semantics<arbitrary>], iteration_bounds = array<i64: 31>, scalar_prefetch = 0 : i64, scratch_operands = 0 : i64, tpu.core_type = #tpu.core_type<tc>, window_params = [{transform_indices = @transform_0, window_bounds = array<i64: 64, 32768>}, {transform_indices = @transform_1, window_bounds = array<i64: 16384, 128>}]} {
    %get3A = arith.constant 0 : index
    %get3A_0 = arith.constant 0 : index
    %get3A_1 = vector.load %arg1[%get3A, %get3A_0] : memref<64x32768xf32, #tpu.memory_space<vmem>>, vector<64x32768xf32>
    %transpose3A = tpu.transpose %get3A_1, [1, 0] : vector<64x32768xf32> -> vector<32768x64xf32>
    %slice3A = vector.extract_strided_slice %transpose3A {offsets = [0, 0], sizes = [16384, 64], strides = [1, 1]} : vector<32768x64xf32> to vector<16384x64xf32>
    %swap3A = arith.constant 0 : index
    %swap3A_2 = arith.constant 0 : index
    %swap3A_3 = vector.load %arg2[%swap3A, %swap3A_2] : memref<16384x128xf32, #tpu.memory_space<vmem>>, vector<16384x64xf32>
    tpu.vector_store %arg2[%swap3A, %swap3A_2], %slice3A {strides = array<i32>} : memref<16384x128xf32, #tpu.memory_space<vmem>>, vector<16384x64xf32>,
    %slice3A_4 = vector.extract_strided_slice %transpose3A {offsets = [16384, 0], sizes = [16384, 64], strides = [1, 1]} : vector<32768x64xf32> to vector<16384x64xf32>
    %swap3A_5 = arith.constant 0 : index
    %swap3A_6 = arith.constant 64 : index
    %swap3A_7 = vector.load %arg2[%swap3A_5, %swap3A_6] : memref<16384x128xf32, #tpu.memory_space<vmem>>, vector<16384x64xf32>
    tpu.vector_store %arg2[%swap3A_5, %swap3A_6], %slice3A_4 {strides = array<i32>} : memref<16384x128xf32, #tpu.memory_space<vmem>>, vector<16384x64xf32>,
    return
  }
  func.func @transform_0(%arg0: i32) -> (i32, i32) {
    %c0_i32 = arith.constant 0 : i32
    %c0_i32_0 = arith.constant 0 : i32
    return %c0_i32, %arg0 : i32, i32
  }
  func.func @transform_1(%arg0: i32) -> (i32, i32) {
    %c0_i32 = arith.constant 0 : i32
    %c0_i32_0 = arith.constant 0 : i32
    return %arg0, %c0_i32 : i32, i32
  }
}

module attributes {stable_mosaic.version = 14 : i64} {
  func.func @body(%arg0: i32, %arg1: memref<8192x128xf32, #tpu.memory_space<vmem>>, %arg2: memref<200x64x4096xf32, #tpu.memory_space<any>>, %arg3: memref<4x64x4096xf32, #tpu.memory_space<vmem>>) attributes {dimension_semantics = [#tpu.dimension_semantics<arbitrary>], iteration_bounds = array<i64: 25>, scalar_prefetch = 0 : i64, scratch_operands = 0 : i64, tpu.core_type = #tpu.core_type<tc>, window_params = [{transform_indices = @transform_0, window_bounds = array<i64: 8192, 128>}, {}, {transform_indices = @transform_2, window_bounds = array<i64: 4, 64, 4096>}]} {
    %get3A = arith.constant 0 : index
    %get3A_0 = arith.constant 0 : index
    %get3A_1 = vector.load %arg1[%get3A, %get3A_0] : memref<8192x128xf32, #tpu.memory_space<vmem>>, vector<2048x128xf32>
    %transpose3A = tpu.transpose %get3A_1, [1, 0] : vector<2048x128xf32> -> vector<128x2048xf32>
    %slice3A = vector.extract_strided_slice %transpose3A {offsets = [0, 0], sizes = [64, 2048], strides = [1, 1]} : vector<128x2048xf32> to vector<64x2048xf32>
    %slice3A_2 = vector.extract_strided_slice %transpose3A {offsets = [64, 0], sizes = [64, 2048], strides = [1, 1]} : vector<128x2048xf32> to vector<64x2048xf32>
    %concatenate3A = tpu.concatenate %slice3A, %slice3A_2 in 1 : vector<64x2048xf32>, vector<64x2048xf32> -> vector<64x4096xf32>
    %swap3A = arith.constant 0 : index
    %swap3A_3 = arith.constant 0 : index
    %swap3A_4 = arith.constant 0 : index
    %swap3A_5 = vector.load %arg3[%swap3A, %swap3A_3, %swap3A_4] : memref<4x64x4096xf32, #tpu.memory_space<vmem>>, vector<1x64x4096xf32>
    %swap3A_6 = vector.shape_cast %swap3A_5 : vector<1x64x4096xf32> to vector<64x4096xf32>
    %swap3A_7 = vector.shape_cast %concatenate3A : vector<64x4096xf32> to vector<1x64x4096xf32>
    tpu.vector_store %arg3[%swap3A, %swap3A_3, %swap3A_4], %swap3A_7 {strides = array<i32>} : memref<4x64x4096xf32, #tpu.memory_space<vmem>>, vector<1x64x4096xf32>,
    %get3A_8 = arith.constant 2048 : index
    %get3A_9 = arith.constant 0 : index
    %get3A_10 = vector.load %arg1[%get3A_8, %get3A_9] : memref<8192x128xf32, #tpu.memory_space<vmem>>, vector<2048x128xf32>
    %transpose3A_11 = tpu.transpose %get3A_10, [1, 0] : vector<2048x128xf32> -> vector<128x2048xf32>
    %slice3A_12 = vector.extract_strided_slice %transpose3A_11 {offsets = [0, 0], sizes = [64, 2048], strides = [1, 1]} : vector<128x2048xf32> to vector<64x2048xf32>
    %slice3A_13 = vector.extract_strided_slice %transpose3A_11 {offsets = [64, 0], sizes = [64, 2048], strides = [1, 1]} : vector<128x2048xf32> to vector<64x2048xf32>
    %concatenate3A_14 = tpu.concatenate %slice3A_12, %slice3A_13 in 1 : vector<64x2048xf32>, vector<64x2048xf32> -> vector<64x4096xf32>
    %swap3A_15 = arith.constant 1 : index
    %swap3A_16 = arith.constant 0 : index
    %swap3A_17 = arith.constant 0 : index
    %swap3A_18 = vector.load %arg3[%swap3A_15, %swap3A_16, %swap3A_17] : memref<4x64x4096xf32, #tpu.memory_space<vmem>>, vector<1x64x4096xf32>
    %swap3A_19 = vector.shape_cast %swap3A_18 : vector<1x64x4096xf32> to vector<64x4096xf32>
    %swap3A_20 = vector.shape_cast %concatenate3A_14 : vector<64x4096xf32> to vector<1x64x4096xf32>
    tpu.vector_store %arg3[%swap3A_15, %swap3A_16, %swap3A_17], %swap3A_20 {strides = array<i32>} : memref<4x64x4096xf32, #tpu.memory_space<vmem>>, vector<1x64x4096xf32>,
    %get3A_21 = arith.constant 4096 : index
    %get3A_22 = arith.constant 0 : index
    %get3A_23 = vector.load %arg1[%get3A_21, %get3A_22] : memref<8192x128xf32, #tpu.memory_space<vmem>>, vector<2048x128xf32>
    %transpose3A_24 = tpu.transpose %get3A_23, [1, 0] : vector<2048x128xf32> -> vector<128x2048xf32>
    %slice3A_25 = vector.extract_strided_slice %transpose3A_24 {offsets = [0, 0], sizes = [64, 2048], strides = [1, 1]} : vector<128x2048xf32> to vector<64x2048xf32>
    %slice3A_26 = vector.extract_strided_slice %transpose3A_24 {offsets = [64, 0], sizes = [64, 2048], strides = [1, 1]} : vector<128x2048xf32> to vector<64x2048xf32>
    %concatenate3A_27 = tpu.concatenate %slice3A_25, %slice3A_26 in 1 : vector<64x2048xf32>, vector<64x2048xf32> -> vector<64x4096xf32>
    %swap3A_28 = arith.constant 2 : index
    %swap3A_29 = arith.constant 0 : index
    %swap3A_30 = arith.constant 0 : index
    %swap3A_31 = vector.load %arg3[%swap3A_28, %swap3A_29, %swap3A_30] : memref<4x64x4096xf32, #tpu.memory_space<vmem>>, vector<1x64x4096xf32>
    %swap3A_32 = vector.shape_cast %swap3A_31 : vector<1x64x4096xf32> to vector<64x4096xf32>
    %swap3A_33 = vector.shape_cast %concatenate3A_27 : vector<64x4096xf32> to vector<1x64x4096xf32>
    tpu.vector_store %arg3[%swap3A_28, %swap3A_29, %swap3A_30], %swap3A_33 {strides = array<i32>} : memref<4x64x4096xf32, #tpu.memory_space<vmem>>, vector<1x64x4096xf32>,
    %get3A_34 = arith.constant 6144 : index
    %get3A_35 = arith.constant 0 : index
    %get3A_36 = vector.load %arg1[%get3A_34, %get3A_35] : memref<8192x128xf32, #tpu.memory_space<vmem>>, vector<2048x128xf32>
    %transpose3A_37 = tpu.transpose %get3A_36, [1, 0] : vector<2048x128xf32> -> vector<128x2048xf32>
    %slice3A_38 = vector.extract_strided_slice %transpose3A_37 {offsets = [0, 0], sizes = [64, 2048], strides = [1, 1]} : vector<128x2048xf32> to vector<64x2048xf32>
    %slice3A_39 = vector.extract_strided_slice %transpose3A_37 {offsets = [64, 0], sizes = [64, 2048], strides = [1, 1]} : vector<128x2048xf32> to vector<64x2048xf32>
    %concatenate3A_40 = tpu.concatenate %slice3A_38, %slice3A_39 in 1 : vector<64x2048xf32>, vector<64x2048xf32> -> vector<64x4096xf32>
    %swap3A_41 = arith.constant 3 : index
    %swap3A_42 = arith.constant 0 : index
    %swap3A_43 = arith.constant 0 : index
    %swap3A_44 = vector.load %arg3[%swap3A_41, %swap3A_42, %swap3A_43] : memref<4x64x4096xf32, #tpu.memory_space<vmem>>, vector<1x64x4096xf32>
    %swap3A_45 = vector.shape_cast %swap3A_44 : vector<1x64x4096xf32> to vector<64x4096xf32>
    %swap3A_46 = vector.shape_cast %concatenate3A_40 : vector<64x4096xf32> to vector<1x64x4096xf32>
    tpu.vector_store %arg3[%swap3A_41, %swap3A_42, %swap3A_43], %swap3A_46 {strides = array<i32>} : memref<4x64x4096xf32, #tpu.memory_space<vmem>>, vector<1x64x4096xf32>,
    return
  }
  func.func @transform_0(%arg0: i32) -> (i32, i32) {
    %c0_i32 = arith.constant 0 : i32
    %c0_i32_0 = arith.constant 0 : i32
    return %arg0, %c0_i32 : i32, i32
  }
  func.func @transform_2(%arg0: i32) -> (i32, i32, i32) {
    %add3A = arith.constant 25 : i32
    %add3A_0 = arith.addi %arg0, %add3A : i32
    %c0_i32 = arith.constant 0 : i32
    %c0_i32_1 = arith.constant 0 : i32
    %c0_i32_2 = arith.constant 0 : i32
    return %add3A_0, %c0_i32, %c0_i32_1 : i32, i32, i32
  }
}

</mosaic_0001>

<sc_bundles>
// kernel: kernel.10.cloned.1.call-start
scs
__scs_entry_jumppad:
0x0: {  	(pc) =	sbr.rel $0x88, $3  }
0x1: {  	(tag) =	ssettag $0x0;
	lr =	simm.s32 $0x1  }
0x2: {  	[smem:$0x3F9F] =	sst lr;
	_ =	strace $0xD0000000  }
0x3: {  	_ = 	snop  }
0x4: {  	_ = 	snop  }
0x5: {  	_ = 	snop  }
0x6: {  	_ = 	snop  }
0x7: {  	_ = 	snop  }
__scs_overlays_trampoline_lowered:
0x8: {  	[smem:$0x3FAE] =	sst s0  }
0x9: {  	[smem:$0x3FAF] =	sst s1  }
0xa: {  	[smem:$0x3FB0] =	sst s2  }
0xb: {  	[smem:$0x3FB1] =	sst s3  }
0xc: {  	[smem:$0x3FB2] =	sst s4  }
0xd: {  	[smem:$0x3FB3] =	sst s5  }
0xe: {  	[smem:$0x3FB4] =	sst s6  }
0xf: {  	[smem:$0x3FB5] =	sst s7  }
0x10: {  	[smem:$0x3FB6] =	sst s8  }
0x11: {  	[smem:$0x3FB7] =	sst s9;
	s0 =	simm.s32 @!p0 $0x0  }
0x12: {  	s1 =	sld [smem:$0x3F9D];
	s0 =	simm.s32 @p0 $0x1  }
0x13: {  	[smem:$0x3FB8] =	sst s0;
	s0 =	simm.s32 @!p1 $0x0  }
0x14: {  	s2 =	sld [smem:$0x3F9C];
	s0 =	simm.s32 @p1 $0x1  }
0x15: {  	[smem:$0x3FB9] =	sst s0;
	s0 =	simm.s32 @!p2 $0x0  }
0x16: {  	s3 =	sld [smem:$0x3FDB];
	s0 =	simm.s32 @p2 $0x1  }
0x17: {  	s4 =	simm.s32 $0x1BF5;
	[smem:$0x3FBB] =	sst s0  }
0x18: {  	s0 =	sld [smem:$0x3F9E];
	_ =	swait.ge [sflag:s4], $0x0  }
0x19: {  	s7 =	sld [smem:$0x3F9F]  }
0x1a: {  	s8 =	sadd.s32 $0xFFFFE003, lr  }
0x1b: {  	s9 =	sadd.s32 $0xFFFFFEF7, lr;
	s5 =	simm.s32 $0xFFFFFFFF;
	p2 =	slt.u32 s8, $0xFFFFF086  }
0x1c: {  	p1 =	slt.u32 s9, $0xF7A;
	s5 =	simm.s32 @!p2 $0x0  }
0x1d: {  	s5 =	simm.s32 @p1 $0x1;
	p0 =	seq.s32 s7, s2  }
0x1e: {  	s7 =	smul.u32 @!p0 $0xF7A, s2;
	p2 =	seq.s32 @!p0 s5, $0x0  }
0x1f: {  	s9 =	smul.u32 $0xF7A, s1;
	s8 =	simm.s32 @!p0 $0x1BF5;
	p2 =	por !p2, p0  }
0x20: {  	[sflag:s8] =	ssyncset.s32 @!p0 $0xFFFFF086;
	s6 =	sadd.s32 @!p0 s3, s7;
	s7 =	simm.s32 @!p0 $0x108  }
0x21: {  	s3 =	sadd.s32 s3, s9;
	s6 =	sadd.s32 @!p0 $0x88, s6;
	s7 =	simm.s32 @p2 $0x1082  }
0x22: {  	[simem:s7], [sflag:s8] =	dma.local @!p0 [hbm:s6], $0xF7A  }
0x23: {  	s9 =	sor.u32 $0xD0000000, s2;
	s6 =	simm.s32 $0x108;
	_ =	swait.ge @!p0 [sflag:s8], $0x0  }
0x24: {  	s3 =	sadd.s32 $0x88, s3;
	s6 =	simm.s32 @!p1 $0x1082;
	[sflag:s4] =	ssyncset.s32 $0xFFFFF086  }
0x25: {  	[simem:s6], [sflag:s4] =	dma.local [hbm:s3], $0xF7A  }
0x26: {  	[smem:$0x3F9F] =	sst s1;
	(tag) =	ssettag s2;
	_ =	strace s9  }
0x27: {  	s1 =	sld [smem:$0x3FAF]  }
0x28: {  	s2 =	sld [smem:$0x3FB0]  }
0x29: {  	s4 =	sld [smem:$0x3FB2]  }
0x2a: {  	p0 =	seq.s32 s5, $0x0;
	s5 =	sld [smem:$0x3FB3]  }
0x2b: {  	s6 =	sld [smem:$0x3FB4]  }
0x2c: {  	s7 =	sld [smem:$0x3FB5]  }
0x2d: {  	s3 =	simm.s32 $0x108;
	s8 =	sld [smem:$0x3FB6]  }
0x2e: {  	s3 =	simm.s32 @!p0 $0x1082;
	s9 =	sld [smem:$0x3FB7]  }
0x2f: {  	lr =	sadd.s32 s0, s3;
	s0 =	sld [smem:$0x3FAE]  }
0x30: {  	s3 =	sld [smem:$0x3FB1]  }
0x31: {  	[smem:$0x3FBA] =	sst s10  }
0x32: {  	s10 =	sld [smem:$0x3FB8];
	_ =	sdelay $0x3  }
0x33: {  	p0 =	seq.s32 s10, $0x1;
	s10 =	sld [smem:$0x3FBA];
	_ =	sdelay $0x3  }
0x34: {  	[smem:$0x3FBA] =	sst s10  }
0x35: {  	s10 =	sld [smem:$0x3FB9];
	_ =	sdelay $0x3  }
0x36: {  	p1 =	seq.s32 s10, $0x1;
	s10 =	sld [smem:$0x3FBA];
	_ =	sdelay $0x3  }
0x37: {  	[smem:$0x3FBA] =	sst s10  }
0x38: {  	s10 =	sld [smem:$0x3FBB]  }
0x39: {  	_ = 	snop;
	(pc) =	sbr.ind lr, $3  }
0x3a: {  	_ = 	snop  }
0x3b: {  	_ = 	snop  }
0x3c: {  	p2 =	seq.s32 s10, $0x1;
	s10 =	sld [smem:$0x3FBA]  }
0x3d: {  	_ =	shalt  }
0x3e: {  	_ =	shalt  }
0x3f: {  	_ =	shalt  }
0x40: {  	_ =	shalt  }
0x41: {  	_ =	shalt  }
0x42: {  	_ =	shalt  }
0x43: {  	_ =	shalt  }
0x44: {  	_ =	shalt  }
0x45: {  	_ =	shalt  }
0x46: {  	_ =	shalt  }
0x47: {  	_ =	shalt  }
0x48: {  	_ =	shalt  }
0x49: {  	_ =	shalt  }
0x4a: {  	_ =	shalt  }
0x4b: {  	_ =	shalt  }
0x4c: {  	_ =	shalt  }
0x4d: {  	_ =	shalt  }
0x4e: {  	_ =	shalt  }
0x4f: {  	_ =	shalt  }
0x50: {  	_ =	shalt  }
0x51: {  	_ =	shalt  }
0x52: {  	_ =	shalt  }
0x53: {  	_ =	shalt  }
0x54: {  	_ =	shalt  }
0x55: {  	_ =	shalt  }
0x56: {  	_ =	shalt  }
0x57: {  	_ =	shalt  }
0x58: {  	_ =	shalt  }
0x59: {  	_ =	shalt  }
0x5a: {  	_ =	shalt  }
0x5b: {  	_ =	shalt  }
0x5c: {  	_ =	shalt  }
0x5d: {  	_ =	shalt  }
0x5e: {  	_ =	shalt  }
0x5f: {  	_ =	shalt  }
0x60: {  	_ =	shalt  }
0x61: {  	_ =	shalt  }
0x62: {  	_ =	shalt  }
0x63: {  	_ =	shalt  }
0x64: {  	_ =	shalt  }
0x65: {  	_ =	shalt  }
0x66: {  	_ =	shalt  }
0x67: {  	_ =	shalt  }
0x68: {  	_ =	shalt  }
0x69: {  	_ =	shalt  }
0x6a: {  	_ =	shalt  }
0x6b: {  	_ =	shalt  }
0x6c: {  	_ =	shalt  }
0x6d: {  	_ =	shalt  }
0x6e: {  	_ =	shalt  }
0x6f: {  	_ =	shalt  }
0x70: {  	_ =	shalt  }
0x71: {  	_ =	shalt  }
0x72: {  	_ =	shalt  }
0x73: {  	_ =	shalt  }
0x74: {  	_ =	shalt  }
0x75: {  	_ =	shalt  }
0x76: {  	_ =	shalt  }
0x77: {  	_ =	shalt  }
0x78: {  	_ =	shalt  }
0x79: {  	_ =	shalt  }
0x7a: {  	_ =	shalt  }
0x7b: {  	_ =	shalt  }
0x7c: {  	_ =	shalt  }
0x7d: {  	_ =	shalt  }
0x7e: {  	_ =	shalt  }
0x7f: {  	_ =	shalt  }
0x80: {  	_ =	shalt  }
0x81: {  	_ =	shalt  }
0x82: {  	_ =	shalt  }
0x83: {  	_ =	shalt  }
0x84: {  	_ =	shalt  }
0x85: {  	_ =	shalt  }
0x86: {  	_ =	shalt  }
0x87: {  	_ =	shalt  }
.Lfunc_end0:
.L_simem_size_0:
called_computation.1_lowered:
.L_overlay_start_0:
0x88: {  	s2 =	sld [smem:$0x3FD9]  }
0x89: {  	s3 =	sld [smem:$0x3FFE];
	_ =	sdelay $0x1  }
0x8a: {  	s1 =	srdreg.scid  }
0x8b: {  	s0 =	sand.u32 $0x1, s1  }
0x8c: {  	s17 =	sshll.u32 s0, $0xA;
	s2 =	sadd.s32 s3, s2  }
0x8d: {  	s2 =	sadd.s32 s2, s17  }
0x8e: {  	[smem:$0x3FC6] =	sst s2  }
0x8f: {  	_ = 	snop  }
0x90: {  	(tm) =	ssettm $0x1  }
0x91: {  	s18 =	sld [smem:$0x3FFB];
	_ =	sdelay $0x3  }
0x92: {  	_ =	strace s18  }
0x93: {  	s2 =	sld [smem:$0x3FFC];
	_ =	sdelay $0x3  }
0x94: {  	_ =	strace s2  }
0x95: {  	s2 =	sld [smem:$0x3FFD];
	_ =	sdelay $0x3  }
0x96: {  	_ =	strace s2  }
0x97: {  	_ =	strace $0x8FFFFFFF  }
0x98: {  	s19 =	sld [smem:$0x3FDB];
	_ =	sdelay $0x1  }
0x99: {  	s20 =	simm.s32 $_scs_section_size  }
0x9a: {  	s4 =	simm.s32 $_size__tile_overlayer_lowered;
	s5 =	simm.s32 $_tile_overlayer_lowered  }
0x9b: {  	s6 =	simm.s32 $0x1BFF;
	s21 =	sshll.u32 s5, $0x1;
	s3 =	sadd.s32 s20, s19  }
0x9c: {  	s22 =	simm.s32 $0x0;
	s4 =	sshll.u32 s4, $0x1;
	s5 =	sadd.s32 s21, s3  }
0x9d: {  	[timem:s22], [sflag:s6] =	dma.local [hbm:s5], s4  }
0x9e: {  	_ =	swait.ge [sflag:s6], s4  }
0x9f: {  	s4 =	ssub.s32 $0x0, s4;
	[sflag:s6] =	ssyncset.done $0x0  }
0xa0: {  	[sflag:s6] =	ssyncadd.s32 s4;
	_ =	sdelay $0x1  }
0xa1: {  	s23 =	simm.s32 $0x1B8B  }
0xa2: {  	_ =	swait.ge [sflag:s23], $0x1  }
0xa3: {  	[sflag:s23] =	ssyncset.done $0x0  }
0xa4: {  	[sflag:s23] =	ssyncadd.s32 $0xFFFFFFFF  }
0xa5: {  	s4 =	sld [smem:$0x0]  }
0xa6: {  	s5 =	sand.u32 $0xFFFFFFFE, s1  }
0xa7: {  	p0 =	sne.s32 s1, s5  }
0xa8: {  	s5 =	sshll.u32 @p0 s5, $0xE  }
0xa9: {  	s5 =	sadd.s32 @p0 $0x11B8D, s5;
	s6 =	sshll.u32 @p0 s4, $0x11  }
0xaa: {  	s5 =	sor.u32 @p0 s6, s5  }
0xab: {  	[sflag:s5] =	ssyncadd.remote.s32 @p0 $0x1;
	_ =	sdelay $0x1  }
0xac: {  	s5 =	simm.s32 @p0 $0x1B8D  }
0xad: {  	_ =	swait.eq @p0 [sflag:s5], $0x1  }
0xae: {  	[sflag:s5] =	ssyncadd.s32 @p0 $0xFFFFFFFF  }
0xaf: {  	s6 =	sshll.u32 @!p0 s1, $0xE  }
0xb0: {  	s6 =	sor.u32 @!p0 $0x4000, s6;
	s5 =	simm.s32 @!p0 $0x1B8D  }
0xb1: {  	s4 =	sshll.u32 @!p0 s4, $0x11;
	s6 =	sadd.s32 @!p0 $0x11B8D, s6;
	_ =	swait.eq @!p0 [sflag:s5], $0x1  }
0xb2: {  	s4 =	sor.u32 @!p0 s4, s6;
	[sflag:s5] =	ssyncadd.s32 @!p0 $0xFFFFFFFF  }
0xb3: {  	s25 =	simm.s32 $0x1B8E;
	s24 =	sld [smem:$0x3FFE];
	[sflag:s4] =	ssyncadd.remote.s32 @!p0 $0x1  }
0xb4: {  	s26 =	simm.s32 $execute0_lowered;
	[smem:$0x3FD2] =	sst s25  }
0xb5: {  	s5 =	sshll.u32 s26, $0x1;
	_ =	strace $0x80000049;
	[dreg:$0x1] =	wrdreg $0xFFFFFFFF  }
0xb6: {  	s28 =	simm.s32 $_size_execute0_lowered;
	s3 =	sadd.s32 s3, s5;
	[dreg:$0x0] =	wrdreg $0x0  }
0xb7: {  	s5 =	sshll.u32 s28, $0x1;
	[dreg:$0x2] =	wrdreg s3  }
0xb8: {  	[dreg:$0x3] =	wrdreg s5  }
0xb9: {  	[dreg:$0x4] =	wrdreg $0xC0  }
0xba: {  	_ =	task [dreg:s22], $0x5FFFF  }
0xbb: {  	[dreg:$0x1] =	wrdreg $0xFFFFFFFF  }
0xbc: {  	[dreg:$0x0] =	wrdreg $0x60  }
0xbd: {  	[dreg:$0x2] =	wrdreg s24  }
0xbe: {  	[dreg:$0x3] =	wrdreg $0xA  }
0xbf: {  	_ =	task.clear_ibuf [dreg:s22], $0x4FFFF;
	_ =	strace $0x90000049  }
0xc0: {  	s29 =	simm.s32 $0xA;
	_ =	strace $0x8000004B  }
0xc1: {  	_ =	swait.ge [sflag:s29], $0x1  }
0xc2: {  	[sflag:s29] =	ssyncadd.s32 $0xFFFFFFFF  }
0xc3: {  	_ =	strace $0x9000004B  }
0xc4: {  	_ =	sfence  }
0xc5: {  	s30 =	sld [smem:$0x0];
	_ =	sdelay $0x2  }
0xc6: {  	s31 =	sshll.u32 s1, $0xD;
	s1 =	sshrl.u32 s1, $0x2  }
0xc7: {  	s4 =	sand.u32 $0x4000, s31;
	s1 =	sadd.s32 s1, s30  }
0xc8: {  	s0 =	sor.u32 s4, s0;
	s1 =	sshll.u32 s1, $0x11  }
0xc9: {  	s0 =	sor.u32 s1, s0  }
0xca: {  	s0 =	sadd.s32 $0x8F2B, s0  }
0xcb: {  	[sflag:s0] =	ssyncadd.remote.s32 $0x1  }
0xcc: {  	_ =	sfence.sel $0xFFFF  }
0xcd: {  	[dreg:$0x0] =	wrdreg $0xFFFFFFFF;
	(pc) =	sbr.abs _section_cstart, $3  }
0xce: {  	[dreg:$0x1] =	wrdreg $0xFFFFFFFF  }
0xcf: {  	_ =	task.clear_ibuf [dreg:s22], $0x2FFFF;
	_ =	strace $0x9FFFFFFF  }
0xd0: {  	(tm) =	ssettm $0x7FFFFFFF  }
0xd1: {  	_ =	shalt  }
tec
execute0_lowered:
.L_overlay_start_1:
0x0: {  	(tag) =	ssettag $0x1  }
0x1: {  	s0 =	srdreg.scid  }
0x2: {  	s3 =	stileid.u32;
	s1 =	rddreg [dreg:$0x0]  }
0x3: {  	s4 =	simm.s32 $0x0;
	s8 =	simm.s32 $0x7200;
	s12 =	simm.s32 $0xB200  }
0x4: {  	s28 =	simm.s32 $0x13200;
	s29 =	simm.s32 $0x40;
	s30 =	simm.s32 $0x80  }
0x5: {  	s31 =	simm.s32 $0x2;
	s0 =	sand.u32 $0x1, s0;
	s2 =	sshll.u32 s3, $0x1  }
0x6: {  	[smem:$0x7FF] =	sst s4;
	s5 =	smul.u32 $0x6400, s3;
	s6 =	ssub.s32 $0x2, s0  }
0x7: {  	s2 =	sor.u32 s0, s2;
	s0 =	smul.u32 $0x3200, s0;
	s7 =	sshrl.u32 s6, $0x1  }
0x8: {  	s3 =	sadd.s32 $0x19800, s1;
	s4 =	sadd.s32 $0xAF9800, s1;
	s6 =	ssub.s32 s6, s7  }
0x9: {  	_ =	strace $0x8000004A;
	s0 =	sadd.s32 s0, s5;
	s16 =	smax.u32 s6, $0x1  }
0xa: {  	s17 =	sadd.s32 $0x300, s0;
	s19 =	sadd.s32 $0x200, s0;
	[dreg:$0x3] =	wrdreg s16  }
0xb: {  	s21 =	sor.u32 $0x100, s0;
	s24 =	sshrl.u32 s0, $0x1;
	[dreg:$0x6] =	wrdreg s19  }
0xc: {  	s23 =	sadd.s32 $0x400, s0;
	s0 =	sshrl.u32 s0, $0x5;
	[dreg:$0xb] =	wrdreg s24  }
0xd: {  	s2 =	smul.u32 $0x3200, s2;
	s18 =	sshrl.u32 s17, $0x1;
	[dreg:$0xc] =	wrdreg s0  }
0xe: {  	s7 =	simm.s32 $0x3200;
	s20 =	sshrl.u32 s19, $0x1;
	[dreg:$0x4] =	wrdreg s18  }
0xf: {  	s2 =	sshrl.u32 s2, $0x3;
	s22 =	sshrl.u32 s21, $0x1;
	[dreg:$0x7] =	wrdreg s20  }
0x10: {  	s6 =	simm.s32 $0x100;
	s25 =	sshrl.u32 s23, $0x1;
	[dreg:$0x9] =	wrdreg s22  }
0x11: {  	s1 =	sadd.s32 s1, s2;
	s26 =	sshrl.u32 s23, $0x5;
	[dreg:$0xd] =	wrdreg s25  }
0x12: {  	s2 =	simm.s32 $0xF200;
	s1 =	sadd.s32 $0xD000, s1;
	[dreg:$0xe] =	wrdreg s26  }
0x13: {  	s23 =	simm.s32 $0xB200;
	[dreg:$0x2] =	wrdreg s1;
	s1 =	sshrl.u32 s17, $0x5  }
0x14: {  	s26 =	simm.s32 $0x1;
	[dreg:$0x5] =	wrdreg s1;
	s1 =	sshrl.u32 s19, $0x5  }
0x15: {  	s25 =	simm.s32 $0x7200;
	[dreg:$0x8] =	wrdreg s1;
	s1 =	sshrl.u32 s21, $0x5  }
0x16: {  	s21 =	simm.s32 $0xF200;
	[dreg:$0xa] =	wrdreg s1;
	s1 =	simm.s32 $0x0  }
.LBB2_1:
0x17: {  	[dreg:$0xf] =	wrdreg s1  }
0x18: {  	s0 =	simm.s32 $0x0;
	s18 =	rddreg [dreg:$0x2];
	s19 =	simm.s32 $0x3  }
0x19: {  	[tilespmem:s0], [sflag:$0x3] =	stream.linear.gather [hbm4b:s18+s0], $0x3200, $0x38;
	[tilespmem:$0x17200] =	vst v63  }
0x1a: {  	_ =	swait.ge [sflag:s19], $0x3200  }
0x1b: {  	[sflag:s19] =	ssyncset.done $0x0  }
0x1c: {  	[sflag:s19] =	ssyncadd.s32 $0xFFFFCE00  }
0x1d: {  	[tilespmem:s7], [sflag:$0x1] =	stream.indirect.gather [hbm4b:s3+s6], $0x40, s0, s6, $0xb8;
	[tilespmem:$0x17200] =	vst v63  }
0x1e: {  	_ = 	snop  }
0x1f: {  	[tilespmem:s8], [sflag:$0x1] =	stream.indirect.gather [hbm4b:s3+s6], $0x40, s6, s6, $0xb8;
	[tilespmem:$0x17200] =	vst v63  }
0x20: {  	s20 =	simm.s32 $0x200  }
0x21: {  	[tilespmem:s12], [sflag:$0x1] =	stream.indirect.gather [hbm4b:s3+s6], $0x40, s20, s6, $0xb8;
	[tilespmem:$0x17200] =	vst v63  }
0x22: {  	s22 =	simm.s32 $0x300  }
0x23: {  	[tilespmem:s2], [sflag:$0x1] =	stream.indirect.gather [hbm4b:s3+s6], $0x40, s22, s6, $0xb8;
	[tilespmem:$0x17200] =	vst v63  }
0x24: {  	s1 =	rddreg [dreg:$0xb];
	_ =	swait.ge [sflag:s26], $0x4000  }
0x25: {  	s13 =	rddreg [dreg:$0x6]  }
0x26: {  	p0 =	por $0x1, $0x1;
	s24 =	sand.u32 $0x1FFF800, s1;
	s5 =	sadd.s32 $0xFFFFFE00, s13  }
0x27: {  	[sflag:s26] =	ssyncset.done $0x0;
	s11 =	rddreg [dreg:$0xc];
	s2 =	sand.u32 $0x700, s5  }
0x28: {  	[sflag:s26] =	ssyncadd.s32 $0xFFFFC000;
	s5 =	simm.s32 @!p0 $0x2;
	s0 =	sor.u32 s2, s24  }
0x29: {  	s9 =	sand.u32 $0x40, s11;
	_ =	swait.ge @!p0 [sflag:s5], $0x4000;
	s0 =	sshll.u32 s0, $0x7  }
0x2a: {  	[sflag:s5] =	ssyncset.done @!p0 $0x0;
	s0 =	sor.u32 s9, s0  }
0x2b: {  	s10 =	simm.s32 $0x400;
	[sflag:s5] =	ssyncadd.s32 @!p0 $0xFFFFC000;
	s0 =	sshrl.u32 s0, $0x3  }
0x2c: {  	[tilespmem:s28], [sflag:$0x1] =	stream.indirect.gather [hbm4b:s3+s6], $0x40, s10, s6, $0xb8;
	[tilespmem:$0x17200] =	vst v63  }
0x2d: {  	s0 =	sadd.s32 s4, s0  }
0x2e: {  	[hbm4b:s0+s29] =	stream.strided.scatter [tilespmem:s7], [sflag:$0x2], $0x4000, s30, s29, $0x38;
	[tilespmem:$0x17200] =	vst v63  }
0x2f: {  	p0 =	por $0x0, $0x0;
	_ =	swait.ge [sflag:s26], $0x4000  }
0x30: {  	s14 =	sadd.s32 $0xFFFFFF00, s13;
	s10 =	simm.s32 @!p0 $0x100;
	s17 =	rddreg [dreg:$0x9]  }
0x31: {  	s0 =	sand.u32 $0x700, s14;
	[sflag:s26] =	ssyncset.done $0x0;
	s15 =	sand.u32 $0x1FFF800, s17  }
0x32: {  	s9 =	rddreg [dreg:$0xa];
	[sflag:s26] =	ssyncadd.s32 $0xFFFFC000;
	s0 =	sor.u32 s0, s15  }
0x33: {  	s16 =	sand.u32 $0x40, s9;
	_ =	swait.ge [sflag:s31], $0x4000;
	s0 =	sshll.u32 s0, $0x7  }
0x34: {  	s2 =	simm.s32 @!p0 $0x3200;
	[sflag:s31] =	ssyncset.done $0x0;
	s0 =	sor.u32 s16, s0  }
0x35: {  	[sflag:s31] =	ssyncadd.s32 $0xFFFFC000;
	s18 =	sshrl.u32 s0, $0x3;
	s0 =	simm.s32 @!p0 $0x500  }
0x36: {  	[tilespmem:s2], [sflag:$0x1] =	stream.indirect.gather @!p0 [hbm4b:s3+s10], $0x40, s0, s10, $0xb8;
	[tilespmem:$0x17200] =	vst v63  }
0x37: {  	s19 =	sadd.s32 s4, s18  }
0x38: {  	[hbm4b:s19+s29] =	stream.strided.scatter [tilespmem:s8], [sflag:$0x2], $0x4000, s30, s29, $0x38;
	[tilespmem:$0x17200] =	vst v63  }
0x39: {  	_ =	swait.ge [sflag:s26], $0x4000  }
0x3a: {  	[sflag:s26] =	ssyncset.done $0x0  }
0x3b: {  	s22 =	sand.u32 $0x700, s13;
	s15 =	rddreg [dreg:$0x7];
	[sflag:s26] =	ssyncadd.s32 $0xFFFFC000  }
0x3c: {  	s7 =	simm.s32 @!p0 $0x700;
	s20 =	sand.u32 $0x1FFF800, s15;
	_ =	swait.ge [sflag:s31], $0x4000  }
0x3d: {  	s2 =	simm.s32 @!p0 $0x600;
	s5 =	sor.u32 s22, s20;
	s16 =	rddreg [dreg:$0x8]  }
0x3e: {  	s5 =	sshll.u32 s5, $0x7;
	[sflag:s31] =	ssyncset.done $0x0;
	s24 =	sand.u32 $0x40, s16  }
0x3f: {  	s8 =	simm.s32 @!p0 $0x7200;
	[sflag:s31] =	ssyncadd.s32 $0xFFFFC000;
	s5 =	sor.u32 s24, s5  }
0x40: {  	[tilespmem:s8], [sflag:$0x1] =	stream.indirect.gather @!p0 [hbm4b:s3+s10], $0x40, s2, s10, $0xb8;
	[tilespmem:$0x17200] =	vst v63  }
0x41: {  	s14 =	simm.s32 @!p0 $0x800;
	s20 =	rddreg [dreg:$0xe];
	s5 =	sshrl.u32 s5, $0x3  }
0x42: {  	s0 =	simm.s32 $0x1400;
	s19 =	rddreg [dreg:$0xd];
	s5 =	sadd.s32 s4, s5  }
0x43: {  	[hbm4b:s5+s29] =	stream.strided.scatter [tilespmem:s12], [sflag:$0x2], $0x4000, s30, s29, $0x38;
	[tilespmem:$0x17200] =	vst v63  }
0x44: {  	s22 =	sadd.s32 $0x28, s20;
	s20 =	sand.u32 $0x40, s20;
	_ =	swait.ge [sflag:s26], $0x4000  }
0x45: {  	s24 =	sadd.s32 $0x28, s11;
	s11 =	sadd.s32 $0x100, s13;
	[sflag:s26] =	ssyncset.done $0x0  }
0x46: {  	s5 =	sadd.s32 $0x280, s1;
	s1 =	rddreg [dreg:$0x4];
	[sflag:s26] =	ssyncadd.s32 $0xFFFFC000  }
0x47: {  	s6 =	sand.u32 $0x700, s11;
	s12 =	sand.u32 $0x1FFF800, s1;
	_ =	swait.ge [sflag:s31], $0x4000  }
0x48: {  	s8 =	sor.u32 s6, s12;
	s6 =	sadd.s32 $0x28, s9;
	s9 =	rddreg [dreg:$0x5]  }
0x49: {  	s8 =	sshll.u32 s8, $0x7;
	[sflag:s31] =	ssyncset.done $0x0;
	s18 =	sand.u32 $0x40, s9  }
0x4a: {  	s12 =	simm.s32 @!p0 $0xB200;
	[sflag:s31] =	ssyncadd.s32 $0xFFFFC000;
	s8 =	sor.u32 s18, s8  }
0x4b: {  	[tilespmem:s12], [sflag:$0x1] =	stream.indirect.gather @!p0 [hbm4b:s3+s10], $0x40, s7, s10, $0xb8;
	[tilespmem:$0x17200] =	vst v63  }
0x4c: {  	s2 =	sadd.s32 $0x280, s19;
	s19 =	sand.u32 $0x1FFF800, s19;
	s8 =	sshrl.u32 s8, $0x3  }
0x4d: {  	s12 =	sadd.s32 s4, s8;
	s8 =	sadd.s32 $0x28, s16;
	s16 =	simm.s32 $0xF200  }
0x4e: {  	[hbm4b:s12+s29] =	stream.strided.scatter [tilespmem:s16], [sflag:$0x2], $0x4000, s30, s29, $0x38;
	[tilespmem:$0x17200] =	vst v63  }
0x4f: {  	s18 =	sadd.s32 $0x280, s17;
	s17 =	sadd.s32 $0x200, s13;
	_ =	swait.ge [sflag:s26], $0x4000  }
0x50: {  	s11 =	sadd.s32 $0x500, s13;
	s12 =	sand.u32 $0x700, s17;
	[sflag:s26] =	ssyncset.done $0x0  }
0x51: {  	s7 =	sadd.s32 $0x280, s15;
	s13 =	sor.u32 s12, s19;
	[sflag:s26] =	ssyncadd.s32 $0xFFFFC000  }
0x52: {  	s15 =	simm.s32 @!p0 $0xF200;
	s13 =	sshll.u32 s13, $0x7;
	_ =	swait.ge [sflag:s31], $0x4000  }
0x53: {  	s12 =	sadd.s32 $0x28, s9;
	s13 =	sor.u32 s20, s13;
	[sflag:s31] =	ssyncset.done $0x0  }
0x54: {  	s17 =	sshrl.u32 s13, $0x3;
	s13 =	sadd.s32 $0x280, s1;
	[sflag:s31] =	ssyncadd.s32 $0xFFFFC000  }
.LBB2_2:
0x55: {  	[tilespmem:s15], [sflag:$0x1] =	stream.indirect.gather @!p0 [hbm4b:s3+s10], $0x40, s14, s10, $0xb8;
	[tilespmem:$0x17200] =	vst v63  }
0x56: {  	s14 =	smov.u32 s0  }
0x57: {  	s15 =	smov.u32 s22;
	s16 =	smov.u32 s2;
	s10 =	sand.u32 $0x1FFF800, s5  }
0x58: {  	s0 =	sadd.s32 $0x1400, s0;
	s17 =	sadd.s32 s4, s17;
	p0 =	seq.s32 s14, $0x0  }
0x59: {  	[hbm4b:s17+s29] =	stream.strided.scatter [tilespmem:s28], [sflag:$0x2], $0x4000, s30, s29, $0x38;
	[tilespmem:$0x17200] =	vst v63  }
0x5a: {  	s1 =	sshra.s32 s14, $0x2;
	s17 =	sadd.s32 $0xFFFFFE00, s11;
	_ =	swait.ge [sflag:s26], $0x4000  }
0x5b: {  	s9 =	simm.s32 @!p0 $0x2;
	s17 =	sand.u32 $0x700, s17;
	[sflag:s26] =	ssyncset.done $0x0  }
0x5c: {  	s10 =	sor.u32 s17, s10;
	s17 =	sand.u32 $0x40, s24;
	[sflag:s26] =	ssyncadd.s32 $0xFFFFC000  }
0x5d: {  	p1 =	sne.s32 s0, $0xC800;
	s10 =	sshll.u32 s10, $0x7;
	_ =	swait.ge @!p0 [sflag:s9], $0x4000  }
0x5e: {  	s1 =	sadd.s32 $0x400, s1;
	s10 =	sor.u32 s17, s10;
	[sflag:s9] =	ssyncset.done @!p0 $0x0  }
0x5f: {  	[sflag:s9] =	ssyncadd.s32 @!p0 $0xFFFFC000;
	s9 =	sshrl.u32 s10, $0x3;
	s10 =	simm.s32 $0x100  }
0x60: {  	[tilespmem:s28], [sflag:$0x1] =	stream.indirect.gather [hbm4b:s3+s10], $0x40, s1, s10, $0xb8;
	[tilespmem:$0x17200] =	vst v63  }
0x61: {  	s1 =	sadd.s32 s4, s9;
	s9 =	simm.s32 $0x3200  }
0x62: {  	[hbm4b:s1+s29] =	stream.strided.scatter [tilespmem:s9], [sflag:$0x2], $0x4000, s30, s29, $0x38;
	[tilespmem:$0x17200] =	vst v63  }
0x63: {  	s1 =	sadd.s32 $0xFFFFFF00, s11;
	_ =	swait.ge [sflag:s26], $0x4000  }
0x64: {  	s9 =	sand.u32 $0x1FFF800, s18;
	s1 =	sand.u32 $0x700, s1;
	[sflag:s26] =	ssyncset.done $0x0  }
0x65: {  	s1 =	sor.u32 s1, s9;
	s9 =	sand.u32 $0x40, s6;
	[sflag:s26] =	ssyncadd.s32 $0xFFFFC000  }
0x66: {  	p0 =	seq.s32 s14, $0xB400;
	s1 =	sshll.u32 s1, $0x7;
	_ =	swait.ge [sflag:s31], $0x4000  }
0x67: {  	s10 =	simm.s32 @!p0 $0x100;
	s1 =	sor.u32 s9, s1;
	[sflag:s31] =	ssyncset.done $0x0  }
0x68: {  	s9 =	sshra.s32 @!p0 s14, $0x2;
	s14 =	simm.s32 @!p0 $0x3200;
	s1 =	sshrl.u32 s1, $0x3  }
0x69: {  	s17 =	sadd.s32 @!p0 $0x500, s9;
	s19 =	sadd.s32 @!p0 $0x600, s9;
	[sflag:s31] =	ssyncadd.s32 $0xFFFFC000  }
0x6a: {  	[tilespmem:s14], [sflag:$0x1] =	stream.indirect.gather @!p0 [hbm4b:s3+s10], $0x40, s17, s10, $0xb8;
	[tilespmem:$0x17200] =	vst v63  }
0x6b: {  	s1 =	sadd.s32 s4, s1;
	s17 =	sadd.s32 @!p0 $0x700, s9;
	s14 =	sadd.s32 @!p0 $0x800, s9  }
0x6c: {  	[hbm4b:s1+s29] =	stream.strided.scatter [tilespmem:s25], [sflag:$0x2], $0x4000, s30, s29, $0x38;
	[tilespmem:$0x17200] =	vst v63  }
0x6d: {  	_ =	swait.ge [sflag:s26], $0x4000  }
0x6e: {  	s9 =	sand.u32 $0x700, s11;
	s1 =	sand.u32 $0x1FFF800, s7;
	[sflag:s26] =	ssyncset.done $0x0  }
0x6f: {  	s22 =	sadd.s32 $0x28, s22;
	s1 =	sor.u32 s9, s1;
	[sflag:s26] =	ssyncadd.s32 $0xFFFFC000  }
0x70: {  	s9 =	sand.u32 $0x40, s8;
	s1 =	sshll.u32 s1, $0x7;
	_ =	swait.ge [sflag:s31], $0x4000  }
0x71: {  	s20 =	simm.s32 @!p0 $0x7200;
	s1 =	sor.u32 s9, s1;
	[sflag:s31] =	ssyncset.done $0x0  }
0x72: {  	s2 =	sadd.s32 $0x280, s2;
	s1 =	sshrl.u32 s1, $0x3;
	[sflag:s31] =	ssyncadd.s32 $0xFFFFC000  }
0x73: {  	[tilespmem:s20], [sflag:$0x1] =	stream.indirect.gather @!p0 [hbm4b:s3+s10], $0x40, s19, s10, $0xb8;
	[tilespmem:$0x17200] =	vst v63  }
0x74: {  	s5 =	sadd.s32 $0x280, s5;
	s24 =	sadd.s32 $0x28, s24;
	s1 =	sadd.s32 s4, s1  }
0x75: {  	[hbm4b:s1+s29] =	stream.strided.scatter [tilespmem:s23], [sflag:$0x2], $0x4000, s30, s29, $0x38;
	[tilespmem:$0x17200] =	vst v63  }
0x76: {  	s18 =	sadd.s32 $0x280, s18;
	s1 =	sadd.s32 $0x100, s11;
	_ =	swait.ge [sflag:s26], $0x4000  }
0x77: {  	s9 =	sand.u32 $0x1FFF800, s13;
	s1 =	sand.u32 $0x700, s1;
	[sflag:s26] =	ssyncset.done $0x0  }
0x78: {  	s6 =	sadd.s32 $0x28, s6;
	s1 =	sor.u32 s1, s9;
	[sflag:s26] =	ssyncadd.s32 $0xFFFFC000  }
0x79: {  	s9 =	sand.u32 $0x40, s12;
	s1 =	sshll.u32 s1, $0x7;
	_ =	swait.ge [sflag:s31], $0x4000  }
0x7a: {  	s19 =	simm.s32 @!p0 $0xB200;
	s1 =	sor.u32 s9, s1;
	[sflag:s31] =	ssyncset.done $0x0  }
0x7b: {  	s7 =	sadd.s32 $0x280, s7;
	s1 =	sshrl.u32 s1, $0x3;
	[sflag:s31] =	ssyncadd.s32 $0xFFFFC000  }
0x7c: {  	[tilespmem:s19], [sflag:$0x1] =	stream.indirect.gather @!p0 [hbm4b:s3+s10], $0x40, s17, s10, $0xb8;
	[tilespmem:$0x17200] =	vst v63  }
0x7d: {  	s8 =	sadd.s32 $0x28, s8;
	s9 =	sand.u32 $0x1FFF800, s16;
	s1 =	sadd.s32 s4, s1  }
0x7e: {  	[hbm4b:s1+s29] =	stream.strided.scatter [tilespmem:s21], [sflag:$0x2], $0x4000, s30, s29, $0x38;
	[tilespmem:$0x17200] =	vst v63  }
0x7f: {  	s1 =	sadd.s32 $0x200, s11;
	s11 =	sadd.s32 $0x500, s11;
	_ =	swait.ge [sflag:s26], $0x4000  }
.Ltmp0:
0x80: {  	s1 =	sand.u32 $0x700, s1;
	[sflag:s26] =	ssyncset.done $0x0;
	(pc) =	sbr.rel @p1 .LBB2_2-.Ltmp0, $4  }
0x81: {  	s12 =	sadd.s32 $0x28, s12;
	s1 =	sor.u32 s1, s9;
	[sflag:s26] =	ssyncadd.s32 $0xFFFFC000  }
0x82: {  	s9 =	sand.u32 $0x40, s15;
	s1 =	sshll.u32 s1, $0x7;
	_ =	swait.ge [sflag:s31], $0x4000  }
0x83: {  	s15 =	simm.s32 @!p0 $0xF200;
	s1 =	sor.u32 s9, s1;
	[sflag:s31] =	ssyncset.done $0x0  }
0x84: {  	s13 =	sadd.s32 $0x280, s13;
	s17 =	sshrl.u32 s1, $0x3;
	[sflag:s31] =	ssyncadd.s32 $0xFFFFC000  }
0x85: {  	[tilespmem:s15], [sflag:$0x1] =	stream.indirect.gather @!p0 [hbm4b:s3+s10], $0x40, s14, s10, $0xb8;
	[tilespmem:$0x17200] =	vst v63  }
0x86: {  	s0 =	sadd.s32 s4, s17  }
0x87: {  	[hbm4b:s0+s29] =	stream.strided.scatter [tilespmem:s28], [sflag:$0x2], $0x4000, s30, s29, $0x38;
	[tilespmem:$0x17200] =	vst v63  }
0x88: {  	_ =	swait.ge [sflag:s31], $0x4000  }
0x89: {  	s1 =	rddreg [dreg:$0xf]  }
0x8a: {  	s24 =	rddreg [dreg:$0x3];
	s1 =	sadd.s32 $0x1, s1  }
0x8b: {  	p0 =	sne.s32 s1, s24  }
.Ltmp1:
0x8c: {  	_ = 	snop;
	(pc) =	sbr.rel @p0 .LBB2_1-.Ltmp1, $4  }
0x8d: {  	_ = 	snop  }
0x8e: {  	s6 =	simm.s32 $0x100  }
0x8f: {  	s7 =	simm.s32 $0x3200;
	s8 =	simm.s32 $0x7200;
	[sflag:s31] =	ssyncset.done $0x0  }
0x90: {  	s12 =	simm.s32 $0xB200;
	s2 =	simm.s32 $0xF200;
	[sflag:s31] =	ssyncadd.s32 $0xFFFFC000  }
0x91: {  	_ =	sfence.sel $0x180000  }
0x92: {  	[bflag:$0x0] =	sbarrier.arrive $0xFFFF  }
0x93: {  	_ =	strace $0x9000004A  }
0x94: {  	s0 =	stileid.u32;
	[bflag:$0x2] =	sbarrier.arrive $0xFFFF  }
0x95: {  	p0 =	sne.s32 s0, $0x0;
	s0 =	rddreg [dreg:$0x1]  }
0x96: {  	s0 =	sadd.s32 @!p0 $0x100000, s0  }
0x97: {  	[sflag:s0] =	ssyncadd.tile.s32 @!p0 $0x1;
	_ =	shalt  }
.Lfunc_end2:
_tile_overlayer_lowered:
.L_overlay_start_2:
0x98: {  	(tag) =	ssettag $0x2  }
0x99: {  	s0 =	rddreg [dreg:$0x0];
	s2 =	stileid.u32  }
0x9a: {  	s1 =	rddreg [dreg:$0x1];
	p0 =	sne.s32 s2, $0x0  }
0x9b: {  	s3 =	rddreg [dreg:$0x2];
	[bflag:$0x3] =	sbarrier.arrive $0xFFFF;
	s2 =	simm.s32 @!p0 $0x1C03  }
0x9c: {  	[timem:s3], [sflag:s2] =	dma.local @!p0 [hbm:s0], s1  }
0x9d: {  	s0 =	simm.s32 @!p0 $0x3  }
0x9e: {  	_ =	swait.ge @!p0 [sflag:s0], s1  }
0x9f: {  	s1 =	ssub.s32 @!p0 $0x0, s1;
	[sflag:s0] =	ssyncset.done @!p0 $0x0  }
0xa0: {  	[sflag:s0] =	ssyncadd.s32 @!p0 s1  }
0xa1: {  	[bflag:$0x3] =	sbarrier.arrive $0xFFFF  }
0xa2: {  	_ =	shalt  }

// kernel: kernel.7.cloned.1.call-start
scs
__scs_entry_jumppad:
0x0: {  	(pc) =	sbr.rel $0x88, $3  }
0x1: {  	(tag) =	ssettag $0x0;
	lr =	simm.s32 $0x1  }
0x2: {  	[smem:$0x3F9F] =	sst lr;
	_ =	strace $0xD0000000  }
0x3: {  	_ = 	snop  }
0x4: {  	_ = 	snop  }
0x5: {  	_ = 	snop  }
0x6: {  	_ = 	snop  }
0x7: {  	_ = 	snop  }
__scs_overlays_trampoline_lowered:
0x8: {  	[smem:$0x3FAE] =	sst s0  }
0x9: {  	[smem:$0x3FAF] =	sst s1  }
0xa: {  	[smem:$0x3FB0] =	sst s2  }
0xb: {  	[smem:$0x3FB1] =	sst s3  }
0xc: {  	[smem:$0x3FB2] =	sst s4  }
0xd: {  	[smem:$0x3FB3] =	sst s5  }
0xe: {  	[smem:$0x3FB4] =	sst s6  }
0xf: {  	[smem:$0x3FB5] =	sst s7  }
0x10: {  	[smem:$0x3FB6] =	sst s8  }
0x11: {  	[smem:$0x3FB7] =	sst s9;
	s0 =	simm.s32 @!p0 $0x0  }
0x12: {  	s1 =	sld [smem:$0x3F9D];
	s0 =	simm.s32 @p0 $0x1  }
0x13: {  	[smem:$0x3FB8] =	sst s0;
	s0 =	simm.s32 @!p1 $0x0  }
0x14: {  	s2 =	sld [smem:$0x3F9C];
	s0 =	simm.s32 @p1 $0x1  }
0x15: {  	[smem:$0x3FB9] =	sst s0;
	s0 =	simm.s32 @!p2 $0x0  }
0x16: {  	s3 =	sld [smem:$0x3FDB];
	s0 =	simm.s32 @p2 $0x1  }
0x17: {  	s4 =	simm.s32 $0x1BF5;
	[smem:$0x3FBB] =	sst s0  }
0x18: {  	s0 =	sld [smem:$0x3F9E];
	_ =	swait.ge [sflag:s4], $0x0  }
0x19: {  	s7 =	sld [smem:$0x3F9F]  }
0x1a: {  	s8 =	sadd.s32 $0xFFFFE003, lr  }
0x1b: {  	s9 =	sadd.s32 $0xFFFFFEF7, lr;
	s5 =	simm.s32 $0xFFFFFFFF;
	p2 =	slt.u32 s8, $0xFFFFF086  }
0x1c: {  	p1 =	slt.u32 s9, $0xF7A;
	s5 =	simm.s32 @!p2 $0x0  }
0x1d: {  	s5 =	simm.s32 @p1 $0x1;
	p0 =	seq.s32 s7, s2  }
0x1e: {  	s7 =	smul.u32 @!p0 $0xF7A, s2;
	p2 =	seq.s32 @!p0 s5, $0x0  }
0x1f: {  	s9 =	smul.u32 $0xF7A, s1;
	s8 =	simm.s32 @!p0 $0x1BF5;
	p2 =	por !p2, p0  }
0x20: {  	[sflag:s8] =	ssyncset.s32 @!p0 $0xFFFFF086;
	s6 =	sadd.s32 @!p0 s3, s7;
	s7 =	simm.s32 @!p0 $0x108  }
0x21: {  	s3 =	sadd.s32 s3, s9;
	s6 =	sadd.s32 @!p0 $0x88, s6;
	s7 =	simm.s32 @p2 $0x1082  }
0x22: {  	[simem:s7], [sflag:s8] =	dma.local @!p0 [hbm:s6], $0xF7A  }
0x23: {  	s9 =	sor.u32 $0xD0000000, s2;
	s6 =	simm.s32 $0x108;
	_ =	swait.ge @!p0 [sflag:s8], $0x0  }
0x24: {  	s3 =	sadd.s32 $0x88, s3;
	s6 =	simm.s32 @!p1 $0x1082;
	[sflag:s4] =	ssyncset.s32 $0xFFFFF086  }
0x25: {  	[simem:s6], [sflag:s4] =	dma.local [hbm:s3], $0xF7A  }
0x26: {  	[smem:$0x3F9F] =	sst s1;
	(tag) =	ssettag s2;
	_ =	strace s9  }
0x27: {  	s1 =	sld [smem:$0x3FAF]  }
0x28: {  	s2 =	sld [smem:$0x3FB0]  }
0x29: {  	s4 =	sld [smem:$0x3FB2]  }
0x2a: {  	p0 =	seq.s32 s5, $0x0;
	s5 =	sld [smem:$0x3FB3]  }
0x2b: {  	s6 =	sld [smem:$0x3FB4]  }
0x2c: {  	s7 =	sld [smem:$0x3FB5]  }
0x2d: {  	s3 =	simm.s32 $0x108;
	s8 =	sld [smem:$0x3FB6]  }
0x2e: {  	s3 =	simm.s32 @!p0 $0x1082;
	s9 =	sld [smem:$0x3FB7]  }
0x2f: {  	lr =	sadd.s32 s0, s3;
	s0 =	sld [smem:$0x3FAE]  }
0x30: {  	s3 =	sld [smem:$0x3FB1]  }
0x31: {  	[smem:$0x3FBA] =	sst s10  }
0x32: {  	s10 =	sld [smem:$0x3FB8];
	_ =	sdelay $0x3  }
0x33: {  	p0 =	seq.s32 s10, $0x1;
	s10 =	sld [smem:$0x3FBA];
	_ =	sdelay $0x3  }
0x34: {  	[smem:$0x3FBA] =	sst s10  }
0x35: {  	s10 =	sld [smem:$0x3FB9];
	_ =	sdelay $0x3  }
0x36: {  	p1 =	seq.s32 s10, $0x1;
	s10 =	sld [smem:$0x3FBA];
	_ =	sdelay $0x3  }
0x37: {  	[smem:$0x3FBA] =	sst s10  }
0x38: {  	s10 =	sld [smem:$0x3FBB]  }
0x39: {  	_ = 	snop;
	(pc) =	sbr.ind lr, $3  }
0x3a: {  	_ = 	snop  }
0x3b: {  	_ = 	snop  }
0x3c: {  	p2 =	seq.s32 s10, $0x1;
	s10 =	sld [smem:$0x3FBA]  }
0x3d: {  	_ =	shalt  }
0x3e: {  	_ =	shalt  }
0x3f: {  	_ =	shalt  }
0x40: {  	_ =	shalt  }
0x41: {  	_ =	shalt  }
0x42: {  	_ =	shalt  }
0x43: {  	_ =	shalt  }
0x44: {  	_ =	shalt  }
0x45: {  	_ =	shalt  }
0x46: {  	_ =	shalt  }
0x47: {  	_ =	shalt  }
0x48: {  	_ =	shalt  }
0x49: {  	_ =	shalt  }
0x4a: {  	_ =	shalt  }
0x4b: {  	_ =	shalt  }
0x4c: {  	_ =	shalt  }
0x4d: {  	_ =	shalt  }
0x4e: {  	_ =	shalt  }
0x4f: {  	_ =	shalt  }
0x50: {  	_ =	shalt  }
0x51: {  	_ =	shalt  }
0x52: {  	_ =	shalt  }
0x53: {  	_ =	shalt  }
0x54: {  	_ =	shalt  }
0x55: {  	_ =	shalt  }
0x56: {  	_ =	shalt  }
0x57: {  	_ =	shalt  }
0x58: {  	_ =	shalt  }
0x59: {  	_ =	shalt  }
0x5a: {  	_ =	shalt  }
0x5b: {  	_ =	shalt  }
0x5c: {  	_ =	shalt  }
0x5d: {  	_ =	shalt  }
0x5e: {  	_ =	shalt  }
0x5f: {  	_ =	shalt  }
0x60: {  	_ =	shalt  }
0x61: {  	_ =	shalt  }
0x62: {  	_ =	shalt  }
0x63: {  	_ =	shalt  }
0x64: {  	_ =	shalt  }
0x65: {  	_ =	shalt  }
0x66: {  	_ =	shalt  }
0x67: {  	_ =	shalt  }
0x68: {  	_ =	shalt  }
0x69: {  	_ =	shalt  }
0x6a: {  	_ =	shalt  }
0x6b: {  	_ =	shalt  }
0x6c: {  	_ =	shalt  }
0x6d: {  	_ =	shalt  }
0x6e: {  	_ =	shalt  }
0x6f: {  	_ =	shalt  }
0x70: {  	_ =	shalt  }
0x71: {  	_ =	shalt  }
0x72: {  	_ =	shalt  }
0x73: {  	_ =	shalt  }
0x74: {  	_ =	shalt  }
0x75: {  	_ =	shalt  }
0x76: {  	_ =	shalt  }
0x77: {  	_ =	shalt  }
0x78: {  	_ =	shalt  }
0x79: {  	_ =	shalt  }
0x7a: {  	_ =	shalt  }
0x7b: {  	_ =	shalt  }
0x7c: {  	_ =	shalt  }
0x7d: {  	_ =	shalt  }
0x7e: {  	_ =	shalt  }
0x7f: {  	_ =	shalt  }
0x80: {  	_ =	shalt  }
0x81: {  	_ =	shalt  }
0x82: {  	_ =	shalt  }
0x83: {  	_ =	shalt  }
0x84: {  	_ =	shalt  }
0x85: {  	_ =	shalt  }
0x86: {  	_ =	shalt  }
0x87: {  	_ =	shalt  }
.Lfunc_end0:
.L_simem_size_0:
called_computation_lowered:
.L_overlay_start_0:
0x88: {  	s2 =	sld [smem:$0x3FD9]  }
0x89: {  	s3 =	sld [smem:$0x3FFE];
	_ =	sdelay $0x1  }
0x8a: {  	s1 =	srdreg.scid  }
0x8b: {  	s0 =	sand.u32 $0x1, s1  }
0x8c: {  	s16 =	sshll.u32 s0, $0xA;
	s2 =	sadd.s32 s3, s2  }
0x8d: {  	s2 =	sadd.s32 s2, s16  }
0x8e: {  	[smem:$0x3FC6] =	sst s2  }
0x8f: {  	_ = 	snop  }
0x90: {  	(tm) =	ssettm $0x1  }
0x91: {  	s17 =	sld [smem:$0x3FFB];
	_ =	sdelay $0x3  }
0x92: {  	_ =	strace s17  }
0x93: {  	s2 =	sld [smem:$0x3FFC];
	_ =	sdelay $0x3  }
0x94: {  	_ =	strace s2  }
0x95: {  	s2 =	sld [smem:$0x3FFD];
	_ =	sdelay $0x3  }
0x96: {  	_ =	strace s2  }
0x97: {  	_ =	strace $0x8FFFFFFF  }
0x98: {  	s18 =	sld [smem:$0x3FDB];
	_ =	sdelay $0x1  }
0x99: {  	s19 =	simm.s32 $_scs_section_size  }
0x9a: {  	s4 =	simm.s32 $_size__tile_overlayer_lowered;
	s5 =	simm.s32 $_tile_overlayer_lowered  }
0x9b: {  	s22 =	simm.s32 $0x1BFF;
	s21 =	sshll.u32 s5, $0x1;
	s2 =	sadd.s32 s19, s18  }
0x9c: {  	s6 =	simm.s32 $0x0;
	s20 =	sshll.u32 s4, $0x1;
	s4 =	sadd.s32 s21, s2  }
0x9d: {  	[timem:s6], [sflag:s22] =	dma.local [hbm:s4], s20  }
0x9e: {  	_ =	swait.ge [sflag:s22], s20  }
0x9f: {  	s3 =	ssub.s32 $0x0, s20;
	[sflag:s22] =	ssyncset.done $0x0  }
0xa0: {  	[sflag:s22] =	ssyncadd.s32 s3;
	_ =	sdelay $0x1  }
0xa1: {  	s23 =	simm.s32 $0x1B8B  }
0xa2: {  	_ =	swait.ge [sflag:s23], $0x1  }
0xa3: {  	[sflag:s23] =	ssyncset.done $0x0  }
0xa4: {  	s25 =	simm.s32 $0x1B8E;
	s24 =	sld [smem:$0x3FFE];
	[sflag:s23] =	ssyncadd.s32 $0xFFFFFFFF  }
0xa5: {  	s26 =	simm.s32 $execute0_lowered;
	[smem:$0x3FD2] =	sst s25  }
0xa6: {  	s4 =	sshll.u32 s26, $0x1;
	_ =	strace $0x80000046;
	[dreg:$0x1] =	wrdreg $0xFFFFFFFF  }
0xa7: {  	s28 =	simm.s32 $_size_execute0_lowered;
	s2 =	sadd.s32 s2, s4;
	[dreg:$0x0] =	wrdreg $0x0  }
0xa8: {  	s4 =	sshll.u32 s28, $0x1;
	[dreg:$0x2] =	wrdreg s2  }
0xa9: {  	[dreg:$0x3] =	wrdreg s4  }
0xaa: {  	[dreg:$0x4] =	wrdreg $0xC0  }
0xab: {  	_ =	task [dreg:s6], $0x5FFFF  }
0xac: {  	[dreg:$0x1] =	wrdreg $0xFFFFFFFF  }
0xad: {  	[dreg:$0x0] =	wrdreg $0x60  }
0xae: {  	[dreg:$0x2] =	wrdreg s24  }
0xaf: {  	[dreg:$0x3] =	wrdreg $0x9  }
0xb0: {  	_ =	task.clear_ibuf [dreg:s6], $0x4FFFF;
	_ =	strace $0x90000046  }
0xb1: {  	s29 =	simm.s32 $0x9;
	_ =	strace $0x80000048  }
0xb2: {  	_ =	swait.ge [sflag:s29], $0x1  }
0xb3: {  	[sflag:s29] =	ssyncadd.s32 $0xFFFFFFFF  }
0xb4: {  	_ =	strace $0x90000048  }
0xb5: {  	_ =	sfence  }
0xb6: {  	s30 =	sld [smem:$0x0];
	_ =	sdelay $0x2  }
0xb7: {  	s31 =	sshll.u32 s1, $0xD;
	s1 =	sshrl.u32 s1, $0x2  }
0xb8: {  	s3 =	sand.u32 $0x4000, s31;
	s1 =	sadd.s32 s1, s30  }
0xb9: {  	s0 =	sor.u32 s3, s0;
	s1 =	sshll.u32 s1, $0x11  }
0xba: {  	s0 =	sor.u32 s1, s0  }
0xbb: {  	s0 =	sadd.s32 $0x8F2B, s0  }
0xbc: {  	[sflag:s0] =	ssyncadd.remote.s32 $0x1  }
0xbd: {  	_ =	sfence.sel $0xFFFF  }
0xbe: {  	[dreg:$0x0] =	wrdreg $0xFFFFFFFF;
	(pc) =	sbr.abs _section_cstart, $3  }
0xbf: {  	[dreg:$0x1] =	wrdreg $0xFFFFFFFF  }
0xc0: {  	_ =	task.clear_ibuf [dreg:s6], $0x2FFFF;
	_ =	strace $0x9FFFFFFF  }
0xc1: {  	(tm) =	ssettm $0x7FFFFFFF  }
tec
execute0_lowered:
.L_overlay_start_1:
0x0: {  	(tag) =	ssettag $0x1  }
0x1: {  	s0 =	srdreg.scid  }
0x2: {  	s3 =	stileid.u32;
	s1 =	rddreg [dreg:$0x0]  }
0x3: {  	s4 =	simm.s32 $0x0;
	s8 =	simm.s32 $0x7200;
	s12 =	simm.s32 $0xB200  }
0x4: {  	s28 =	simm.s32 $0x13200;
	s0 =	sand.u32 $0x1, s0;
	s2 =	sshll.u32 s3, $0x1  }
0x5: {  	[smem:$0x7FF] =	sst s4;
	s5 =	smul.u32 $0x6400, s3;
	s3 =	sadd.s32 $0x19800, s1  }
0x6: {  	s2 =	sor.u32 s0, s2;
	s6 =	ssub.s32 $0x2, s0;
	s0 =	smul.u32 $0x3200, s0  }
0x7: {  	s4 =	sadd.s32 $0x7D9800, s1;
	s2 =	smul.u32 $0x3200, s2;
	s7 =	sshrl.u32 s6, $0x1  }
0x8: {  	_ =	strace $0x80000047;
	s16 =	ssub.s32 s6, s7;
	s0 =	sadd.s32 s0, s5  }
0x9: {  	s2 =	sshrl.u32 s2, $0x3;
	s17 =	sadd.s32 $0x300, s0;
	s19 =	sadd.s32 $0x200, s0  }
0xa: {  	s21 =	sor.u32 $0x100, s0;
	s24 =	sshrl.u32 s0, $0x1;
	[dreg:$0x6] =	wrdreg s19  }
0xb: {  	s23 =	sadd.s32 $0x400, s0;
	s0 =	sshrl.u32 s0, $0x5;
	[dreg:$0xb] =	wrdreg s24  }
0xc: {  	s2 =	sadd.s32 s2, s1;
	s1 =	smax.u32 s16, $0x1;
	[dreg:$0xc] =	wrdreg s0  }
0xd: {  	s29 =	simm.s32 $0x40;
	s18 =	sshrl.u32 s17, $0x1;
	[dreg:$0x3] =	wrdreg s1  }
0xe: {  	s30 =	simm.s32 $0x80;
	s20 =	sshrl.u32 s19, $0x1;
	[dreg:$0x4] =	wrdreg s18  }
0xf: {  	s31 =	simm.s32 $0x2;
	s22 =	sshrl.u32 s21, $0x1;
	[dreg:$0x7] =	wrdreg s20  }
0x10: {  	s6 =	simm.s32 $0x100;
	s25 =	sshrl.u32 s23, $0x1;
	[dreg:$0x9] =	wrdreg s22  }
0x11: {  	s7 =	simm.s32 $0x3200;
	s26 =	sshrl.u32 s23, $0x5;
	[dreg:$0xd] =	wrdreg s25  }
0x12: {  	s23 =	simm.s32 $0xB200;
	s2 =	sadd.s32 $0x800, s2;
	[dreg:$0xe] =	wrdreg s26  }
0x13: {  	s1 =	sshrl.u32 s17, $0x5;
	s26 =	simm.s32 $0x1;
	[dreg:$0x2] =	wrdreg s2  }
0x14: {  	s25 =	simm.s32 $0x7200;
	[dreg:$0x5] =	wrdreg s1;
	s1 =	sshrl.u32 s19, $0x5  }
0x15: {  	s2 =	simm.s32 $0xF200;
	[dreg:$0x8] =	wrdreg s1;
	s1 =	sshrl.u32 s21, $0x5  }
0x16: {  	s21 =	simm.s32 $0xF200;
	[dreg:$0xa] =	wrdreg s1;
	s1 =	simm.s32 $0x0  }
.LBB2_1:
0x17: {  	[dreg:$0xf] =	wrdreg s1  }
0x18: {  	s0 =	simm.s32 $0x0;
	s18 =	rddreg [dreg:$0x2];
	s19 =	simm.s32 $0x3  }
0x19: {  	[tilespmem:s0], [sflag:$0x3] =	stream.linear.gather [hbm4b:s18+s0], $0x3200, $0x38;
	[tilespmem:$0x17200] =	vst v63  }
0x1a: {  	_ =	swait.ge [sflag:s19], $0x3200  }
0x1b: {  	[sflag:s19] =	ssyncset.done $0x0  }
0x1c: {  	[sflag:s19] =	ssyncadd.s32 $0xFFFFCE00  }
0x1d: {  	[tilespmem:s7], [sflag:$0x1] =	stream.indirect.gather [hbm4b:s3+s6], $0x40, s0, s6, $0xb8;
	[tilespmem:$0x17200] =	vst v63  }
0x1e: {  	_ = 	snop  }
0x1f: {  	[tilespmem:s8], [sflag:$0x1] =	stream.indirect.gather [hbm4b:s3+s6], $0x40, s6, s6, $0xb8;
	[tilespmem:$0x17200] =	vst v63  }
0x20: {  	s20 =	simm.s32 $0x200  }
0x21: {  	[tilespmem:s12], [sflag:$0x1] =	stream.indirect.gather [hbm4b:s3+s6], $0x40, s20, s6, $0xb8;
	[tilespmem:$0x17200] =	vst v63  }
0x22: {  	s22 =	simm.s32 $0x300  }
0x23: {  	[tilespmem:s2], [sflag:$0x1] =	stream.indirect.gather [hbm4b:s3+s6], $0x40, s22, s6, $0xb8;
	[tilespmem:$0x17200] =	vst v63  }
0x24: {  	s1 =	rddreg [dreg:$0xb];
	_ =	swait.ge [sflag:s26], $0x4000  }
0x25: {  	s13 =	rddreg [dreg:$0x6]  }
0x26: {  	p0 =	por $0x1, $0x1;
	s24 =	sand.u32 $0x1FFF800, s1;
	s5 =	sadd.s32 $0xFFFFFE00, s13  }
0x27: {  	[sflag:s26] =	ssyncset.done $0x0;
	s11 =	rddreg [dreg:$0xc];
	s2 =	sand.u32 $0x700, s5  }
0x28: {  	[sflag:s26] =	ssyncadd.s32 $0xFFFFC000;
	s5 =	simm.s32 @!p0 $0x2;
	s0 =	sor.u32 s2, s24  }
0x29: {  	s9 =	sand.u32 $0x40, s11;
	_ =	swait.ge @!p0 [sflag:s5], $0x4000;
	s0 =	sshll.u32 s0, $0x7  }
0x2a: {  	[sflag:s5] =	ssyncset.done @!p0 $0x0;
	s0 =	sor.u32 s9, s0  }
0x2b: {  	s10 =	simm.s32 $0x400;
	[sflag:s5] =	ssyncadd.s32 @!p0 $0xFFFFC000;
	s0 =	sshrl.u32 s0, $0x3  }
0x2c: {  	[tilespmem:s28], [sflag:$0x1] =	stream.indirect.gather [hbm4b:s3+s6], $0x40, s10, s6, $0xb8;
	[tilespmem:$0x17200] =	vst v63  }
0x2d: {  	s0 =	sadd.s32 s4, s0  }
0x2e: {  	[hbm4b:s0+s29] =	stream.strided.scatter [tilespmem:s7], [sflag:$0x2], $0x4000, s30, s29, $0x38;
	[tilespmem:$0x17200] =	vst v63  }
0x2f: {  	p0 =	por $0x0, $0x0;
	_ =	swait.ge [sflag:s26], $0x4000  }
0x30: {  	s14 =	sadd.s32 $0xFFFFFF00, s13;
	s10 =	simm.s32 @!p0 $0x100;
	s17 =	rddreg [dreg:$0x9]  }
0x31: {  	s0 =	sand.u32 $0x700, s14;
	[sflag:s26] =	ssyncset.done $0x0;
	s15 =	sand.u32 $0x1FFF800, s17  }
0x32: {  	s9 =	rddreg [dreg:$0xa];
	[sflag:s26] =	ssyncadd.s32 $0xFFFFC000;
	s0 =	sor.u32 s0, s15  }
0x33: {  	s16 =	sand.u32 $0x40, s9;
	_ =	swait.ge [sflag:s31], $0x4000;
	s0 =	sshll.u32 s0, $0x7  }
0x34: {  	s2 =	simm.s32 @!p0 $0x3200;
	[sflag:s31] =	ssyncset.done $0x0;
	s0 =	sor.u32 s16, s0  }
0x35: {  	[sflag:s31] =	ssyncadd.s32 $0xFFFFC000;
	s18 =	sshrl.u32 s0, $0x3;
	s0 =	simm.s32 @!p0 $0x500  }
0x36: {  	[tilespmem:s2], [sflag:$0x1] =	stream.indirect.gather @!p0 [hbm4b:s3+s10], $0x40, s0, s10, $0xb8;
	[tilespmem:$0x17200] =	vst v63  }
0x37: {  	s19 =	sadd.s32 s4, s18  }
0x38: {  	[hbm4b:s19+s29] =	stream.strided.scatter [tilespmem:s8], [sflag:$0x2], $0x4000, s30, s29, $0x38;
	[tilespmem:$0x17200] =	vst v63  }
0x39: {  	_ =	swait.ge [sflag:s26], $0x4000  }
0x3a: {  	[sflag:s26] =	ssyncset.done $0x0  }
0x3b: {  	s22 =	sand.u32 $0x700, s13;
	s15 =	rddreg [dreg:$0x7];
	[sflag:s26] =	ssyncadd.s32 $0xFFFFC000  }
0x3c: {  	s7 =	simm.s32 @!p0 $0x700;
	s20 =	sand.u32 $0x1FFF800, s15;
	_ =	swait.ge [sflag:s31], $0x4000  }
0x3d: {  	s2 =	simm.s32 @!p0 $0x600;
	s5 =	sor.u32 s22, s20;
	s16 =	rddreg [dreg:$0x8]  }
0x3e: {  	s5 =	sshll.u32 s5, $0x7;
	[sflag:s31] =	ssyncset.done $0x0;
	s24 =	sand.u32 $0x40, s16  }
0x3f: {  	s8 =	simm.s32 @!p0 $0x7200;
	[sflag:s31] =	ssyncadd.s32 $0xFFFFC000;
	s5 =	sor.u32 s24, s5  }
0x40: {  	[tilespmem:s8], [sflag:$0x1] =	stream.indirect.gather @!p0 [hbm4b:s3+s10], $0x40, s2, s10, $0xb8;
	[tilespmem:$0x17200] =	vst v63  }
0x41: {  	s14 =	simm.s32 @!p0 $0x800;
	s20 =	rddreg [dreg:$0xe];
	s5 =	sshrl.u32 s5, $0x3  }
0x42: {  	s0 =	simm.s32 $0x1400;
	s19 =	rddreg [dreg:$0xd];
	s5 =	sadd.s32 s4, s5  }
0x43: {  	[hbm4b:s5+s29] =	stream.strided.scatter [tilespmem:s12], [sflag:$0x2], $0x4000, s30, s29, $0x38;
	[tilespmem:$0x17200] =	vst v63  }
0x44: {  	s22 =	sadd.s32 $0x28, s20;
	s20 =	sand.u32 $0x40, s20;
	_ =	swait.ge [sflag:s26], $0x4000  }
0x45: {  	s24 =	sadd.s32 $0x28, s11;
	s11 =	sadd.s32 $0x100, s13;
	[sflag:s26] =	ssyncset.done $0x0  }
0x46: {  	s5 =	sadd.s32 $0x280, s1;
	s1 =	rddreg [dreg:$0x4];
	[sflag:s26] =	ssyncadd.s32 $0xFFFFC000  }
0x47: {  	s6 =	sand.u32 $0x700, s11;
	s12 =	sand.u32 $0x1FFF800, s1;
	_ =	swait.ge [sflag:s31], $0x4000  }
0x48: {  	s8 =	sor.u32 s6, s12;
	s6 =	sadd.s32 $0x28, s9;
	s9 =	rddreg [dreg:$0x5]  }
0x49: {  	s8 =	sshll.u32 s8, $0x7;
	[sflag:s31] =	ssyncset.done $0x0;
	s18 =	sand.u32 $0x40, s9  }
0x4a: {  	s12 =	simm.s32 @!p0 $0xB200;
	[sflag:s31] =	ssyncadd.s32 $0xFFFFC000;
	s8 =	sor.u32 s18, s8  }
0x4b: {  	[tilespmem:s12], [sflag:$0x1] =	stream.indirect.gather @!p0 [hbm4b:s3+s10], $0x40, s7, s10, $0xb8;
	[tilespmem:$0x17200] =	vst v63  }
0x4c: {  	s2 =	sadd.s32 $0x280, s19;
	s19 =	sand.u32 $0x1FFF800, s19;
	s8 =	sshrl.u32 s8, $0x3  }
0x4d: {  	s12 =	sadd.s32 s4, s8;
	s8 =	sadd.s32 $0x28, s16;
	s16 =	simm.s32 $0xF200  }
0x4e: {  	[hbm4b:s12+s29] =	stream.strided.scatter [tilespmem:s16], [sflag:$0x2], $0x4000, s30, s29, $0x38;
	[tilespmem:$0x17200] =	vst v63  }
0x4f: {  	s18 =	sadd.s32 $0x280, s17;
	s17 =	sadd.s32 $0x200, s13;
	_ =	swait.ge [sflag:s26], $0x4000  }
0x50: {  	s11 =	sadd.s32 $0x500, s13;
	s12 =	sand.u32 $0x700, s17;
	[sflag:s26] =	ssyncset.done $0x0  }
0x51: {  	s7 =	sadd.s32 $0x280, s15;
	s13 =	sor.u32 s12, s19;
	[sflag:s26] =	ssyncadd.s32 $0xFFFFC000  }
0x52: {  	s15 =	simm.s32 @!p0 $0xF200;
	s13 =	sshll.u32 s13, $0x7;
	_ =	swait.ge [sflag:s31], $0x4000  }
0x53: {  	s12 =	sadd.s32 $0x28, s9;
	s13 =	sor.u32 s20, s13;
	[sflag:s31] =	ssyncset.done $0x0  }
0x54: {  	s17 =	sshrl.u32 s13, $0x3;
	s13 =	sadd.s32 $0x280, s1;
	[sflag:s31] =	ssyncadd.s32 $0xFFFFC000  }
.LBB2_2:
0x55: {  	[tilespmem:s15], [sflag:$0x1] =	stream.indirect.gather @!p0 [hbm4b:s3+s10], $0x40, s14, s10, $0xb8;
	[tilespmem:$0x17200] =	vst v63  }
0x56: {  	s14 =	smov.u32 s0  }
0x57: {  	s15 =	smov.u32 s22;
	s16 =	smov.u32 s2;
	s10 =	sand.u32 $0x1FFF800, s5  }
0x58: {  	s0 =	sadd.s32 $0x1400, s0;
	s17 =	sadd.s32 s4, s17;
	p0 =	seq.s32 s14, $0x0  }
0x59: {  	[hbm4b:s17+s29] =	stream.strided.scatter [tilespmem:s28], [sflag:$0x2], $0x4000, s30, s29, $0x38;
	[tilespmem:$0x17200] =	vst v63  }
0x5a: {  	s1 =	sshra.s32 s14, $0x2;
	s17 =	sadd.s32 $0xFFFFFE00, s11;
	_ =	swait.ge [sflag:s26], $0x4000  }
0x5b: {  	s9 =	simm.s32 @!p0 $0x2;
	s17 =	sand.u32 $0x700, s17;
	[sflag:s26] =	ssyncset.done $0x0  }
0x5c: {  	s10 =	sor.u32 s17, s10;
	s17 =	sand.u32 $0x40, s24;
	[sflag:s26] =	ssyncadd.s32 $0xFFFFC000  }
0x5d: {  	p1 =	sne.s32 s0, $0xC800;
	s10 =	sshll.u32 s10, $0x7;
	_ =	swait.ge @!p0 [sflag:s9], $0x4000  }
0x5e: {  	s1 =	sadd.s32 $0x400, s1;
	s10 =	sor.u32 s17, s10;
	[sflag:s9] =	ssyncset.done @!p0 $0x0  }
0x5f: {  	[sflag:s9] =	ssyncadd.s32 @!p0 $0xFFFFC000;
	s9 =	sshrl.u32 s10, $0x3;
	s10 =	simm.s32 $0x100  }
0x60: {  	[tilespmem:s28], [sflag:$0x1] =	stream.indirect.gather [hbm4b:s3+s10], $0x40, s1, s10, $0xb8;
	[tilespmem:$0x17200] =	vst v63  }
0x61: {  	s1 =	sadd.s32 s4, s9;
	s9 =	simm.s32 $0x3200  }
0x62: {  	[hbm4b:s1+s29] =	stream.strided.scatter [tilespmem:s9], [sflag:$0x2], $0x4000, s30, s29, $0x38;
	[tilespmem:$0x17200] =	vst v63  }
0x63: {  	s1 =	sadd.s32 $0xFFFFFF00, s11;
	_ =	swait.ge [sflag:s26], $0x4000  }
0x64: {  	s9 =	sand.u32 $0x1FFF800, s18;
	s1 =	sand.u32 $0x700, s1;
	[sflag:s26] =	ssyncset.done $0x0  }
0x65: {  	s1 =	sor.u32 s1, s9;
	s9 =	sand.u32 $0x40, s6;
	[sflag:s26] =	ssyncadd.s32 $0xFFFFC000  }
0x66: {  	p0 =	seq.s32 s14, $0xB400;
	s1 =	sshll.u32 s1, $0x7;
	_ =	swait.ge [sflag:s31], $0x4000  }
0x67: {  	s10 =	simm.s32 @!p0 $0x100;
	s1 =	sor.u32 s9, s1;
	[sflag:s31] =	ssyncset.done $0x0  }
0x68: {  	s9 =	sshra.s32 @!p0 s14, $0x2;
	s14 =	simm.s32 @!p0 $0x3200;
	s1 =	sshrl.u32 s1, $0x3  }
0x69: {  	s17 =	sadd.s32 @!p0 $0x500, s9;
	s19 =	sadd.s32 @!p0 $0x600, s9;
	[sflag:s31] =	ssyncadd.s32 $0xFFFFC000  }
0x6a: {  	[tilespmem:s14], [sflag:$0x1] =	stream.indirect.gather @!p0 [hbm4b:s3+s10], $0x40, s17, s10, $0xb8;
	[tilespmem:$0x17200] =	vst v63  }
0x6b: {  	s1 =	sadd.s32 s4, s1;
	s17 =	sadd.s32 @!p0 $0x700, s9;
	s14 =	sadd.s32 @!p0 $0x800, s9  }
0x6c: {  	[hbm4b:s1+s29] =	stream.strided.scatter [tilespmem:s25], [sflag:$0x2], $0x4000, s30, s29, $0x38;
	[tilespmem:$0x17200] =	vst v63  }
0x6d: {  	_ =	swait.ge [sflag:s26], $0x4000  }
0x6e: {  	s9 =	sand.u32 $0x700, s11;
	s1 =	sand.u32 $0x1FFF800, s7;
	[sflag:s26] =	ssyncset.done $0x0  }
0x6f: {  	s22 =	sadd.s32 $0x28, s22;
	s1 =	sor.u32 s9, s1;
	[sflag:s26] =	ssyncadd.s32 $0xFFFFC000  }
0x70: {  	s9 =	sand.u32 $0x40, s8;
	s1 =	sshll.u32 s1, $0x7;
	_ =	swait.ge [sflag:s31], $0x4000  }
0x71: {  	s20 =	simm.s32 @!p0 $0x7200;
	s1 =	sor.u32 s9, s1;
	[sflag:s31] =	ssyncset.done $0x0  }
0x72: {  	s2 =	sadd.s32 $0x280, s2;
	s1 =	sshrl.u32 s1, $0x3;
	[sflag:s31] =	ssyncadd.s32 $0xFFFFC000  }
0x73: {  	[tilespmem:s20], [sflag:$0x1] =	stream.indirect.gather @!p0 [hbm4b:s3+s10], $0x40, s19, s10, $0xb8;
	[tilespmem:$0x17200] =	vst v63  }
0x74: {  	s5 =	sadd.s32 $0x280, s5;
	s24 =	sadd.s32 $0x28, s24;
	s1 =	sadd.s32 s4, s1  }
0x75: {  	[hbm4b:s1+s29] =	stream.strided.scatter [tilespmem:s23], [sflag:$0x2], $0x4000, s30, s29, $0x38;
	[tilespmem:$0x17200] =	vst v63  }
0x76: {  	s18 =	sadd.s32 $0x280, s18;
	s1 =	sadd.s32 $0x100, s11;
	_ =	swait.ge [sflag:s26], $0x4000  }
0x77: {  	s9 =	sand.u32 $0x1FFF800, s13;
	s1 =	sand.u32 $0x700, s1;
	[sflag:s26] =	ssyncset.done $0x0  }
0x78: {  	s6 =	sadd.s32 $0x28, s6;
	s1 =	sor.u32 s1, s9;
	[sflag:s26] =	ssyncadd.s32 $0xFFFFC000  }
0x79: {  	s9 =	sand.u32 $0x40, s12;
	s1 =	sshll.u32 s1, $0x7;
	_ =	swait.ge [sflag:s31], $0x4000  }
0x7a: {  	s19 =	simm.s32 @!p0 $0xB200;
	s1 =	sor.u32 s9, s1;
	[sflag:s31] =	ssyncset.done $0x0  }
0x7b: {  	s7 =	sadd.s32 $0x280, s7;
	s1 =	sshrl.u32 s1, $0x3;
	[sflag:s31] =	ssyncadd.s32 $0xFFFFC000  }
0x7c: {  	[tilespmem:s19], [sflag:$0x1] =	stream.indirect.gather @!p0 [hbm4b:s3+s10], $0x40, s17, s10, $0xb8;
	[tilespmem:$0x17200] =	vst v63  }
0x7d: {  	s8 =	sadd.s32 $0x28, s8;
	s9 =	sand.u32 $0x1FFF800, s16;
	s1 =	sadd.s32 s4, s1  }
0x7e: {  	[hbm4b:s1+s29] =	stream.strided.scatter [tilespmem:s21], [sflag:$0x2], $0x4000, s30, s29, $0x38;
	[tilespmem:$0x17200] =	vst v63  }
0x7f: {  	s1 =	sadd.s32 $0x200, s11;
	s11 =	sadd.s32 $0x500, s11;
	_ =	swait.ge [sflag:s26], $0x4000  }
.Ltmp0:
0x80: {  	s1 =	sand.u32 $0x700, s1;
	[sflag:s26] =	ssyncset.done $0x0;
	(pc) =	sbr.rel @p1 .LBB2_2-.Ltmp0, $4  }
0x81: {  	s12 =	sadd.s32 $0x28, s12;
	s1 =	sor.u32 s1, s9;
	[sflag:s26] =	ssyncadd.s32 $0xFFFFC000  }
0x82: {  	s9 =	sand.u32 $0x40, s15;
	s1 =	sshll.u32 s1, $0x7;
	_ =	swait.ge [sflag:s31], $0x4000  }
0x83: {  	s15 =	simm.s32 @!p0 $0xF200;
	s1 =	sor.u32 s9, s1;
	[sflag:s31] =	ssyncset.done $0x0  }
0x84: {  	s13 =	sadd.s32 $0x280, s13;
	s17 =	sshrl.u32 s1, $0x3;
	[sflag:s31] =	ssyncadd.s32 $0xFFFFC000  }
0x85: {  	[tilespmem:s15], [sflag:$0x1] =	stream.indirect.gather @!p0 [hbm4b:s3+s10], $0x40, s14, s10, $0xb8;
	[tilespmem:$0x17200] =	vst v63  }
0x86: {  	s0 =	sadd.s32 s4, s17  }
0x87: {  	[hbm4b:s0+s29] =	stream.strided.scatter [tilespmem:s28], [sflag:$0x2], $0x4000, s30, s29, $0x38;
	[tilespmem:$0x17200] =	vst v63  }
0x88: {  	_ =	swait.ge [sflag:s31], $0x4000  }
0x89: {  	s1 =	rddreg [dreg:$0xf]  }
0x8a: {  	s24 =	rddreg [dreg:$0x3];
	s1 =	sadd.s32 $0x1, s1  }
0x8b: {  	p0 =	sne.s32 s1, s24  }
.Ltmp1:
0x8c: {  	_ = 	snop;
	(pc) =	sbr.rel @p0 .LBB2_1-.Ltmp1, $4  }
0x8d: {  	_ = 	snop  }
0x8e: {  	s6 =	simm.s32 $0x100  }
0x8f: {  	s7 =	simm.s32 $0x3200;
	s8 =	simm.s32 $0x7200;
	[sflag:s31] =	ssyncset.done $0x0  }
0x90: {  	s12 =	simm.s32 $0xB200;
	s2 =	simm.s32 $0xF200;
	[sflag:s31] =	ssyncadd.s32 $0xFFFFC000  }
0x91: {  	_ =	sfence.sel $0x180000  }
0x92: {  	[bflag:$0x0] =	sbarrier.arrive $0xFFFF  }
0x93: {  	_ =	strace $0x90000047  }
0x94: {  	s0 =	stileid.u32;
	[bflag:$0x2] =	sbarrier.arrive $0xFFFF  }
0x95: {  	p0 =	sne.s32 s0, $0x0;
	s0 =	rddreg [dreg:$0x1]  }
0x96: {  	s0 =	sadd.s32 @!p0 $0x100000, s0  }
0x97: {  	[sflag:s0] =	ssyncadd.tile.s32 @!p0 $0x1;
	_ =	shalt  }
.Lfunc_end2:
_tile_overlayer_lowered:
.L_overlay_start_2:
0x98: {  	(tag) =	ssettag $0x2  }
0x99: {  	s0 =	rddreg [dreg:$0x0];
	s2 =	stileid.u32  }
0x9a: {  	s1 =	rddreg [dreg:$0x1];
	p0 =	sne.s32 s2, $0x0  }
0x9b: {  	s3 =	rddreg [dreg:$0x2];
	[bflag:$0x3] =	sbarrier.arrive $0xFFFF;
	s2 =	simm.s32 @!p0 $0x1C03  }
0x9c: {  	[timem:s3], [sflag:s2] =	dma.local @!p0 [hbm:s0], s1  }
0x9d: {  	s0 =	simm.s32 @!p0 $0x3  }
0x9e: {  	_ =	swait.ge @!p0 [sflag:s0], s1  }
0x9f: {  	s1 =	ssub.s32 @!p0 $0x0, s1;
	[sflag:s0] =	ssyncset.done @!p0 $0x0  }
0xa0: {  	[sflag:s0] =	ssyncadd.s32 @!p0 s1  }
0xa1: {  	[bflag:$0x3] =	sbarrier.arrive $0xFFFF  }
0xa2: {  	_ =	shalt  }

</sc_bundles>
